<compile_context>
chip_gen: v7x
topology: tpu7x:2x2x1
jax: 0.10.2.dev20260603
libtpu: 0.0.44.dev20260713+nightly
codegen_flags: <defaults>
</compile_context>

<pallas_src>
import functools

import jax
import jax.numpy as jnp
from jax import lax
from jax.experimental import pallas as pl
from jax.experimental.pallas import tpu as pltpu
from jax.experimental.pallas import tpu_sc as plsc

N_NODES = 10000
D = 128
E = 320000

NC = 2
NS = 16

CHUNK = 128
N_CHUNKS = E // CHUNK
T0 = 1270
T1 = N_CHUNKS - T0
N_ACC = 10112
ROWS_PER_TILE = N_ACC // NS


def _sc_aggregate(x, ei):
    mesh = plsc.VectorSubcoreMesh(core_axis_name="c", subcore_axis_name="s")

    @functools.partial(
        pl.kernel,
        mesh=mesh,
        out_type=jax.ShapeDtypeStruct((NC, N_ACC, D), jnp.float32),
        scratch_types=[
            pltpu.VMEM((CHUNK, D), jnp.float32),
            pltpu.VMEM((CHUNK, D), jnp.float32),
            pltpu.VMEM((CHUNK, D), jnp.float32),
            pltpu.VMEM((2, CHUNK), jnp.int32),
            pltpu.VMEM((2, CHUNK), jnp.int32),
            pltpu.VMEM((2, CHUNK), jnp.int32),
            pltpu.VMEM_SHARED((N_ACC, D), jnp.float32),
            pltpu.SemaphoreType.DMA,
            pltpu.SemaphoreType.DMA,
            pltpu.SemaphoreType.DMA,
            pltpu.SemaphoreType.DMA,
            pltpu.SemaphoreType.DMA,
            pltpu.SemaphoreType.DMA,
        ],
    )
    def body(x_hbm, ei_hbm, z_hbm, out_hbm,
             buf0, buf1, buf2, ib0, ib1, ib2, acc_sh,
             sem0, sem1, sem2, isem0, isem1, isem2):
        cid = lax.axis_index("c")
        sid = lax.axis_index("s")
        bufs = (buf0, buf1, buf2)
        sems = (sem0, sem1, sem2)
        ibs = (ib0, ib1, ib2)
        isems = (isem0, isem1, isem2)

        pltpu.sync_copy(z_hbm, buf0)
        r0 = sid * ROWS_PER_TILE
        for b in range(ROWS_PER_TILE // CHUNK):
            pltpu.sync_copy(buf0, acc_sh.at[pl.ds(r0 + b * CHUNK, CHUNK)])
        rem = ROWS_PER_TILE % CHUNK
        if rem:
            nfull = ROWS_PER_TILE // CHUNK
            pltpu.sync_copy(buf0.at[pl.ds(0, rem)],
                            acc_sh.at[pl.ds(r0 + nfull * CHUNK, rem)])
        plsc.subcore_barrier()

        q0, rm0 = T0 // NS, T0 % NS
        q1, rm1 = T1 // NS, T1 % NS
        s32 = sid.astype(jnp.int32)
        start0 = s32 * q0 + jnp.minimum(s32, rm0)
        cnt0 = q0 + jnp.where(s32 < rm0, 1, 0)
        start1 = T0 + s32 * q1 + jnp.minimum(s32, rm1)
        cnt1 = q1 + jnp.where(s32 < rm1, 1, 0)
        start = jnp.where(cid == 0, start0, start1)
        cnt = jnp.where(cid == 0, cnt0, cnt1)

        def load_idx(copy, chunk_i, k):
            copy(ei_hbm.at[pl.ds(0, 2), pl.ds(chunk_i * CHUNK, CHUNK)],
                 ibs[k])

        def wait_idx(k):
            pltpu.make_async_copy(ei_hbm.at[pl.ds(0, 2), pl.ds(0, CHUNK)],
                                  ibs[k], isems[k]).wait()

        load_idx(pltpu.sync_copy, start, 0)
        load_idx(lambda s, d: pltpu.async_copy(s, d, isem1), start + 1, 1)
        load_idx(lambda s, d: pltpu.async_copy(s, d, isem2), start + 2, 2)
        pltpu.async_copy(x_hbm.at[ib0.at[0]], buf0, sem0)
        wait_idx(1)
        pltpu.async_copy(x_hbm.at[ib1.at[0]], buf1, sem1)

        def triple(t, carry):
            for p in range(3):
                i = 3 * t + p
                pn = (p + 2) % 3

                @pl.when(i < cnt)
                def _consume(p=p, i=i):
                    pltpu.make_async_copy(x_hbm.at[pl.ds(0, CHUNK)],
                                          bufs[p], sems[p]).wait()
                    pltpu.sync_copy(bufs[p], acc_sh.at[ibs[p].at[1]],
                                    add=True)

                @pl.when(i + 3 < cnt)
                def _load(p=p, i=i):
                    load_idx(lambda s, d, p=p: pltpu.async_copy(s, d,
                                                                isems[p]),
                             start + i + 3, p)

                @pl.when(i + 2 < cnt)
                def _gather(pn=pn, i=i):
                    wait_idx(pn)
                    pltpu.async_copy(x_hbm.at[ibs[pn].at[0]], bufs[pn],
                                     sems[pn])
            return carry

        lax.fori_loop(0, (cnt + 2) // 3, triple, 0)
        plsc.subcore_barrier()
        plsc.subcore_barrier()

        pltpu.sync_copy(acc_sh.at[pl.ds(r0, ROWS_PER_TILE)],
                        out_hbm.at[cid, pl.ds(r0, ROWS_PER_TILE)])

    zblock = jnp.zeros((CHUNK, D), jnp.float32)
    return body(x, ei, zblock)


def _dense_r_body(x_ref, wr_ref, b_ref, o_ref):
    o_ref[...] = lax.dot_general(
        x_ref[...], wr_ref[...], (((1,), (1,)), ((), ())),
        preferred_element_type=jnp.float32) + b_ref[...]


def _dense_l_body(p0_ref, p1_ref, yr_ref, wl_ref, o_ref):
    agg = p0_ref[0] + p1_ref[0]
    o_ref[...] = lax.dot_general(
        agg, wl_ref[...], (((1,), (1,)), ((), ())),
        preferred_element_type=jnp.float32) + yr_ref[...]


def kernel(x, edge_index, W_l, b_l, W_r):
    blk = 1000
    grid = (N_NODES // blk,)

    y_r = pl.pallas_call(
        _dense_r_body,
        grid=grid,
        in_specs=[
            pl.BlockSpec((blk, D), lambda i: (i, 0)),
            pl.BlockSpec((D, D), lambda i: (0, 0)),
            pl.BlockSpec((1, D), lambda i: (0, 0)),
        ],
        out_specs=pl.BlockSpec((blk, D), lambda i: (i, 0)),
        out_shape=jax.ShapeDtypeStruct((N_NODES, D), jnp.float32),
    )(x, W_r, b_l.reshape(1, D))

    p = _sc_aggregate(x, edge_index)

    out = pl.pallas_call(
        _dense_l_body,
        grid=grid,
        in_specs=[
            pl.BlockSpec((1, blk, D), lambda i: (0, i, 0)),
            pl.BlockSpec((1, blk, D), lambda i: (1, i, 0)),
            pl.BlockSpec((blk, D), lambda i: (i, 0)),
            pl.BlockSpec((D, D), lambda i: (0, 0)),
        ],
        out_specs=pl.BlockSpec((blk, D), lambda i: (i, 0)),
        out_shape=jax.ShapeDtypeStruct((N_NODES, D), jnp.float32),
    )(p, p, y_r, W_l)
    return out

# --- scband reference (transcript-rebuilt; emitter-appended) ---
"""Pipeline reference for scband-graph-conv-54778012893227 (READ-ONLY COPY).

The authoritative reference and input builder live on the scoring server;
editing this copy changes nothing except your own understanding.
"""

import jax, jax.numpy as jnp
import numpy as np

N = 10000
D_IN = 128
D_OUT = 128
E = 320000


def setup_inputs(seed: int = 0) -> dict:
    key = jax.random.key(seed)
    k1, k2, k3, k4, k5 = jax.random.split(key, 5)
    x = jax.random.normal(k1, (N, D_IN), dtype=jnp.float32)
    edge_index = jax.random.randint(k2, (2, E), 0, N, dtype=jnp.int32)
    # Learned parameters (PyTorch nn.Linear: out = x @ W.T + b)
    bound_l = 1.0 / np.sqrt(D_IN)
    W_l = jax.random.uniform(k3, (D_OUT, D_IN), minval=-bound_l, maxval=bound_l, dtype=jnp.float32)
    b_l = jax.random.uniform(k4, (D_OUT,), minval=-bound_l, maxval=bound_l, dtype=jnp.float32)
    W_r = jax.random.uniform(k5, (D_OUT, D_IN), minval=-bound_l, maxval=bound_l, dtype=jnp.float32)
    return {"x": x, "edge_index": edge_index, "W_l": W_l, "b_l": b_l, "W_r": W_r}


def reference(x, edge_index, W_l, b_l, W_r):
    # propagate: gather source-node features, weight (edge_weight=None -> ones), scatter-add to dst
    row = edge_index[0]
    col = edge_index[1]
    msg = x[row]  # edge_weight of ones -> identity multiply
    agg = jax.ops.segment_sum(msg, col, num_segments=x.shape[0])
    # out = lin_l(agg) + lin_r(x)
    out = agg @ W_l.T + b_l
    out = out + x @ W_r.T
    return out

if __name__ == "__main__":
    import jax
    _d = setup_inputs()
    print(jax.jit(kernel)(*tuple(_d.values())))

</pallas_src>

<mosaic_0001>
#map = affine_map<(d0, d1) -> (0, 0)>
#map1 = affine_map<(d0, d1) -> (0, 0, 0)>
module attributes {stable_mosaic.version = 14 : i64} {
  func.func @body(%arg0: i32, %arg1: i32, %arg2: memref<10000x128xf32, #tpu.memory_space<hbm>>, %arg3: memref<2x320000xi32, #tpu.memory_space<hbm>>, %arg4: memref<128x128xf32, #tpu.memory_space<hbm>>, %arg5: memref<2x10112x128xf32, #tpu.memory_space<hbm>>, %arg6: memref<128x128xf32, #tpu.memory_space<vmem>>, %arg7: memref<128x128xf32, #tpu.memory_space<vmem>>, %arg8: memref<128x128xf32, #tpu.memory_space<vmem>>, %arg9: memref<2x128xi32, #tpu.memory_space<vmem>>, %arg10: memref<2x128xi32, #tpu.memory_space<vmem>>, %arg11: memref<2x128xi32, #tpu.memory_space<vmem>>, %arg12: memref<10112x128xf32, #tpu.memory_space<vmem_shared>>, %arg13: memref<!tpu.dma_semaphore, #tpu.memory_space<semaphore_mem>>, %arg14: memref<!tpu.dma_semaphore, #tpu.memory_space<semaphore_mem>>, %arg15: memref<!tpu.dma_semaphore, #tpu.memory_space<semaphore_mem>>, %arg16: memref<!tpu.dma_semaphore, #tpu.memory_space<semaphore_mem>>, %arg17: memref<!tpu.dma_semaphore, #tpu.memory_space<semaphore_mem>>, %arg18: memref<!tpu.dma_semaphore, #tpu.memory_space<semaphore_mem>>) attributes {dimension_semantics = [#tpu.dimension_semantics<core_parallel>, #tpu.dimension_semantics<subcore_parallel>], iteration_bounds = array<i64: 2, 16>, scalar_prefetch = 0 : i64, scratch_operands = 13 : i64, tpu.core_type = #tpu.core_type<sc_vector_subcore>, window_params = [{transform_indices = #map}, {transform_indices = #map}, {transform_indices = #map}, {transform_indices = #map1}]} {
    "tpu.region"() ({
      %run_scoped3A = tpu.sem_alloc : memref<!tpu.dma_semaphore, #tpu.memory_space<semaphore_mem>>
      tpu.enqueue_dma source(%arg4 : memref<128x128xf32, #tpu.memory_space<hbm>>) target(%arg6 : memref<128x128xf32, #tpu.memory_space<vmem>>) target_semaphore(%run_scoped3A : memref<!tpu.dma_semaphore, #tpu.memory_space<semaphore_mem>>)
      tpu.wait_dma2 semaphore(%run_scoped3A : memref<!tpu.dma_semaphore, #tpu.memory_space<semaphore_mem>>) src(%arg4 : memref<128x128xf32, #tpu.memory_space<hbm>>) dst(%arg6 : memref<128x128xf32, #tpu.memory_space<vmem>>)
      tpu.yield
    }) : () -> ()
    %mul3A = arith.constant 632 : i32
    %mul3A_0 = arith.muli %arg1, %mul3A : i32
    %add3A = arith.constant 0 : i32
    %add3A_1 = arith.addi %mul3A_0, %add3A : i32
    "tpu.region"() ({
      %run_scoped3A = tpu.sem_alloc : memref<!tpu.dma_semaphore, #tpu.memory_space<semaphore_mem>>
      %dma_start3A_104 = arith.constant 0 : i32
      %dma_start3A_105 = tpu.memref_slice %arg12[%add3A_1, %dma_start3A_104] : memref<10112x128xf32, #tpu.memory_space<vmem_shared>> -> memref<128x128xf32, #tpu.memory_space<vmem_shared>>
      %dma_start3A_106 = arith.constant 0 : i32
      %dma_start3A_107 = tpu.memref_slice %arg12[%add3A_1, %dma_start3A_106] : memref<10112x128xf32, #tpu.memory_space<vmem_shared>> -> memref<128x128xf32, #tpu.memory_space<vmem_shared>>
      tpu.enqueue_dma source(%arg6 : memref<128x128xf32, #tpu.memory_space<vmem>>) target(%dma_start3A_107 : memref<128x128xf32, #tpu.memory_space<vmem_shared>>) target_semaphore(%run_scoped3A : memref<!tpu.dma_semaphore, #tpu.memory_space<semaphore_mem>>)
      %dma_wait3A_108 = arith.constant 0 : i32
      %dma_wait3A_109 = tpu.memref_slice %arg12[%add3A_1, %dma_wait3A_108] : memref<10112x128xf32, #tpu.memory_space<vmem_shared>> -> memref<128x128xf32, #tpu.memory_space<vmem_shared>>
      %dma_wait3A_110 = arith.constant 0 : i32
      %dma_wait3A_111 = tpu.memref_slice %arg12[%add3A_1, %dma_wait3A_110] : memref<10112x128xf32, #tpu.memory_space<vmem_shared>> -> memref<128x128xf32, #tpu.memory_space<vmem_shared>>
      tpu.wait_dma2 semaphore(%run_scoped3A : memref<!tpu.dma_semaphore, #tpu.memory_space<semaphore_mem>>) src(%arg6 : memref<128x128xf32, #tpu.memory_space<vmem>>) dst(%dma_wait3A_111 : memref<128x128xf32, #tpu.memory_space<vmem_shared>>)
      tpu.yield
    }) : () -> ()
    %add3A_2 = arith.constant 128 : i32
    %add3A_3 = arith.addi %mul3A_0, %add3A_2 : i32
    "tpu.region"() ({
      %run_scoped3A = tpu.sem_alloc : memref<!tpu.dma_semaphore, #tpu.memory_space<semaphore_mem>>
      %dma_start3A_104 = arith.constant 0 : i32
      %dma_start3A_105 = tpu.memref_slice %arg12[%add3A_3, %dma_start3A_104] : memref<10112x128xf32, #tpu.memory_space<vmem_shared>> -> memref<128x128xf32, #tpu.memory_space<vmem_shared>>
      %dma_start3A_106 = arith.constant 0 : i32
      %dma_start3A_107 = tpu.memref_slice %arg12[%add3A_3, %dma_start3A_106] : memref<10112x128xf32, #tpu.memory_space<vmem_shared>> -> memref<128x128xf32, #tpu.memory_space<vmem_shared>>
      tpu.enqueue_dma source(%arg6 : memref<128x128xf32, #tpu.memory_space<vmem>>) target(%dma_start3A_107 : memref<128x128xf32, #tpu.memory_space<vmem_shared>>) target_semaphore(%run_scoped3A : memref<!tpu.dma_semaphore, #tpu.memory_space<semaphore_mem>>)
      %dma_wait3A_108 = arith.constant 0 : i32
      %dma_wait3A_109 = tpu.memref_slice %arg12[%add3A_3, %dma_wait3A_108] : memref<10112x128xf32, #tpu.memory_space<vmem_shared>> -> memref<128x128xf32, #tpu.memory_space<vmem_shared>>
      %dma_wait3A_110 = arith.constant 0 : i32
      %dma_wait3A_111 = tpu.memref_slice %arg12[%add3A_3, %dma_wait3A_110] : memref<10112x128xf32, #tpu.memory_space<vmem_shared>> -> memref<128x128xf32, #tpu.memory_space<vmem_shared>>
      tpu.wait_dma2 semaphore(%run_scoped3A : memref<!tpu.dma_semaphore, #tpu.memory_space<semaphore_mem>>) src(%arg6 : memref<128x128xf32, #tpu.memory_space<vmem>>) dst(%dma_wait3A_111 : memref<128x128xf32, #tpu.memory_space<vmem_shared>>)
      tpu.yield
    }) : () -> ()
    %add3A_4 = arith.constant 256 : i32
    %add3A_5 = arith.addi %mul3A_0, %add3A_4 : i32
    "tpu.region"() ({
      %run_scoped3A = tpu.sem_alloc : memref<!tpu.dma_semaphore, #tpu.memory_space<semaphore_mem>>
      %dma_start3A_104 = arith.constant 0 : i32
      %dma_start3A_105 = tpu.memref_slice %arg12[%add3A_5, %dma_start3A_104] : memref<10112x128xf32, #tpu.memory_space<vmem_shared>> -> memref<128x128xf32, #tpu.memory_space<vmem_shared>>
      %dma_start3A_106 = arith.constant 0 : i32
      %dma_start3A_107 = tpu.memref_slice %arg12[%add3A_5, %dma_start3A_106] : memref<10112x128xf32, #tpu.memory_space<vmem_shared>> -> memref<128x128xf32, #tpu.memory_space<vmem_shared>>
      tpu.enqueue_dma source(%arg6 : memref<128x128xf32, #tpu.memory_space<vmem>>) target(%dma_start3A_107 : memref<128x128xf32, #tpu.memory_space<vmem_shared>>) target_semaphore(%run_scoped3A : memref<!tpu.dma_semaphore, #tpu.memory_space<semaphore_mem>>)
      %dma_wait3A_108 = arith.constant 0 : i32
      %dma_wait3A_109 = tpu.memref_slice %arg12[%add3A_5, %dma_wait3A_108] : memref<10112x128xf32, #tpu.memory_space<vmem_shared>> -> memref<128x128xf32, #tpu.memory_space<vmem_shared>>
      %dma_wait3A_110 = arith.constant 0 : i32
      %dma_wait3A_111 = tpu.memref_slice %arg12[%add3A_5, %dma_wait3A_110] : memref<10112x128xf32, #tpu.memory_space<vmem_shared>> -> memref<128x128xf32, #tpu.memory_space<vmem_shared>>
      tpu.wait_dma2 semaphore(%run_scoped3A : memref<!tpu.dma_semaphore, #tpu.memory_space<semaphore_mem>>) src(%arg6 : memref<128x128xf32, #tpu.memory_space<vmem>>) dst(%dma_wait3A_111 : memref<128x128xf32, #tpu.memory_space<vmem_shared>>)
      tpu.yield
    }) : () -> ()
    %add3A_6 = arith.constant 384 : i32
    %add3A_7 = arith.addi %mul3A_0, %add3A_6 : i32
    "tpu.region"() ({
      %run_scoped3A = tpu.sem_alloc : memref<!tpu.dma_semaphore, #tpu.memory_space<semaphore_mem>>
      %dma_start3A_104 = arith.constant 0 : i32
      %dma_start3A_105 = tpu.memref_slice %arg12[%add3A_7, %dma_start3A_104] : memref<10112x128xf32, #tpu.memory_space<vmem_shared>> -> memref<128x128xf32, #tpu.memory_space<vmem_shared>>
      %dma_start3A_106 = arith.constant 0 : i32
      %dma_start3A_107 = tpu.memref_slice %arg12[%add3A_7, %dma_start3A_106] : memref<10112x128xf32, #tpu.memory_space<vmem_shared>> -> memref<128x128xf32, #tpu.memory_space<vmem_shared>>
      tpu.enqueue_dma source(%arg6 : memref<128x128xf32, #tpu.memory_space<vmem>>) target(%dma_start3A_107 : memref<128x128xf32, #tpu.memory_space<vmem_shared>>) target_semaphore(%run_scoped3A : memref<!tpu.dma_semaphore, #tpu.memory_space<semaphore_mem>>)
      %dma_wait3A_108 = arith.constant 0 : i32
      %dma_wait3A_109 = tpu.memref_slice %arg12[%add3A_7, %dma_wait3A_108] : memref<10112x128xf32, #tpu.memory_space<vmem_shared>> -> memref<128x128xf32, #tpu.memory_space<vmem_shared>>
      %dma_wait3A_110 = arith.constant 0 : i32
      %dma_wait3A_111 = tpu.memref_slice %arg12[%add3A_7, %dma_wait3A_110] : memref<10112x128xf32, #tpu.memory_space<vmem_shared>> -> memref<128x128xf32, #tpu.memory_space<vmem_shared>>
      tpu.wait_dma2 semaphore(%run_scoped3A : memref<!tpu.dma_semaphore, #tpu.memory_space<semaphore_mem>>) src(%arg6 : memref<128x128xf32, #tpu.memory_space<vmem>>) dst(%dma_wait3A_111 : memref<128x128xf32, #tpu.memory_space<vmem_shared>>)
      tpu.yield
    }) : () -> ()
    %add3A_8 = arith.constant 512 : i32
    %add3A_9 = arith.addi %mul3A_0, %add3A_8 : i32
    "tpu.region"() ({
      %run_scoped3A = tpu.sem_alloc : memref<!tpu.dma_semaphore, #tpu.memory_space<semaphore_mem>>
      %dma_start3A_104 = arith.constant 0 : i32
      %dma_start3A_105 = arith.constant 0 : i32
      %dma_start3A_106 = tpu.memref_slice %arg6[%dma_start3A_104, %dma_start3A_105] : memref<128x128xf32, #tpu.memory_space<vmem>> -> memref<120x128xf32, #tpu.memory_space<vmem>>
      %dma_start3A_107 = arith.constant 0 : i32
      %dma_start3A_108 = tpu.memref_slice %arg12[%add3A_9, %dma_start3A_107] : memref<10112x128xf32, #tpu.memory_space<vmem_shared>> -> memref<120x128xf32, #tpu.memory_space<vmem_shared>>
      %dma_start3A_109 = arith.constant 0 : i32
      %dma_start3A_110 = tpu.memref_slice %arg12[%add3A_9, %dma_start3A_109] : memref<10112x128xf32, #tpu.memory_space<vmem_shared>> -> memref<120x128xf32, #tpu.memory_space<vmem_shared>>
      %dma_start3A_111 = arith.constant 0 : i32
      %dma_start3A_112 = arith.constant 0 : i32
      %dma_start3A_113 = tpu.memref_slice %arg6[%dma_start3A_111, %dma_start3A_112] : memref<128x128xf32, #tpu.memory_space<vmem>> -> memref<120x128xf32, #tpu.memory_space<vmem>>
      tpu.enqueue_dma source(%dma_start3A_113 : memref<120x128xf32, #tpu.memory_space<vmem>>) target(%dma_start3A_110 : memref<120x128xf32, #tpu.memory_space<vmem_shared>>) target_semaphore(%run_scoped3A : memref<!tpu.dma_semaphore, #tpu.memory_space<semaphore_mem>>)
      %dma_wait3A_114 = arith.constant 0 : i32
      %dma_wait3A_115 = arith.constant 0 : i32
      %dma_wait3A_116 = tpu.memref_slice %arg6[%dma_wait3A_114, %dma_wait3A_115] : memref<128x128xf32, #tpu.memory_space<vmem>> -> memref<120x128xf32, #tpu.memory_space<vmem>>
      %dma_wait3A_117 = arith.constant 0 : i32
      %dma_wait3A_118 = tpu.memref_slice %arg12[%add3A_9, %dma_wait3A_117] : memref<10112x128xf32, #tpu.memory_space<vmem_shared>> -> memref<120x128xf32, #tpu.memory_space<vmem_shared>>
      %dma_wait3A_119 = arith.constant 0 : i32
      %dma_wait3A_120 = tpu.memref_slice %arg12[%add3A_9, %dma_wait3A_119] : memref<10112x128xf32, #tpu.memory_space<vmem_shared>> -> memref<120x128xf32, #tpu.memory_space<vmem_shared>>
      %dma_wait3A_121 = arith.constant 0 : i32
      %dma_wait3A_122 = arith.constant 0 : i32
      %dma_wait3A_123 = tpu.memref_slice %arg6[%dma_wait3A_121, %dma_wait3A_122] : memref<128x128xf32, #tpu.memory_space<vmem>> -> memref<120x128xf32, #tpu.memory_space<vmem>>
      tpu.wait_dma2 semaphore(%run_scoped3A : memref<!tpu.dma_semaphore, #tpu.memory_space<semaphore_mem>>) src(%dma_wait3A_123 : memref<120x128xf32, #tpu.memory_space<vmem>>) dst(%dma_wait3A_120 : memref<120x128xf32, #tpu.memory_space<vmem_shared>>)
      tpu.yield
    }) : () -> ()
    %barrier3A = arith.constant 0 : index
    tpu.barrier barrier_id(%barrier3A)
    %mul3A_10 = arith.constant 79 : i32
    %mul3A_11 = arith.muli %arg1, %mul3A_10 : i32
    %min3A = arith.constant 6 : i32
    %min3A_12 = arith.minsi %arg1, %min3A : i32
    %add3A_13 = arith.addi %mul3A_11, %min3A_12 : i32
    %lt3A = arith.constant 6 : i32
    %lt3A_14 = arith.cmpi slt, %arg1, %lt3A : i32
    %jit3A = arith.constant 1 : i32
    %jit3A_15 = arith.constant 0 : i32
    %select_n3A = arith.select %lt3A_14, %jit3A, %jit3A_15 : i32
    %add3A_16 = arith.constant 79 : i32
    %add3A_17 = arith.addi %add3A_16, %select_n3A : i32
    %mul3A_18 = arith.constant 76 : i32
    %mul3A_19 = arith.muli %arg1, %mul3A_18 : i32
    %add3A_20 = arith.constant 1270 : i32
    %add3A_21 = arith.addi %add3A_20, %mul3A_19 : i32
    %min3A_22 = arith.constant 14 : i32
    %min3A_23 = arith.minsi %arg1, %min3A_22 : i32
    %add3A_24 = arith.addi %add3A_21, %min3A_23 : i32
    %lt3A_25 = arith.constant 14 : i32
    %lt3A_26 = arith.cmpi slt, %arg1, %lt3A_25 : i32
    %jit3A_27 = arith.constant 1 : i32
    %jit3A_28 = arith.constant 0 : i32
    %select_n3A_29 = arith.select %lt3A_26, %jit3A_27, %jit3A_28 : i32
    %add3A_30 = arith.constant 76 : i32
    %add3A_31 = arith.addi %add3A_30, %select_n3A_29 : i32
    %eq3A = arith.constant 0 : i32
    %eq3A_32 = arith.cmpi eq, %arg0, %eq3A : i32
    %select_n3A_33 = arith.select %eq3A_32, %add3A_13, %add3A_24 : i32
    %eq3A_34 = arith.constant 0 : i32
    %eq3A_35 = arith.cmpi eq, %arg0, %eq3A_34 : i32
    %select_n3A_36 = arith.select %eq3A_35, %add3A_17, %add3A_31 : i32
    %mul3A_37 = arith.constant 128 : i32
    %mul3A_38 = arith.muli %select_n3A_33, %mul3A_37 : i32
    "tpu.region"() ({
      %run_scoped3A = tpu.sem_alloc : memref<!tpu.dma_semaphore, #tpu.memory_space<semaphore_mem>>
      %dma_start3A_104 = arith.constant 0 : i32
      %dma_start3A_105 = tpu.memref_slice %arg3[%dma_start3A_104, %mul3A_38] : memref<2x320000xi32, #tpu.memory_space<hbm>> -> memref<2x128xi32, #tpu.memory_space<hbm>>
      %dma_start3A_106 = arith.constant 0 : i32
      %dma_start3A_107 = tpu.memref_slice %arg3[%dma_start3A_106, %mul3A_38] : memref<2x320000xi32, #tpu.memory_space<hbm>> -> memref<2x128xi32, #tpu.memory_space<hbm>>
      tpu.enqueue_dma source(%dma_start3A_107 : memref<2x128xi32, #tpu.memory_space<hbm>>) target(%arg9 : memref<2x128xi32, #tpu.memory_space<vmem>>) target_semaphore(%run_scoped3A : memref<!tpu.dma_semaphore, #tpu.memory_space<semaphore_mem>>)
      %dma_wait3A_108 = arith.constant 0 : i32
      %dma_wait3A_109 = tpu.memref_slice %arg3[%dma_wait3A_108, %mul3A_38] : memref<2x320000xi32, #tpu.memory_space<hbm>> -> memref<2x128xi32, #tpu.memory_space<hbm>>
      %dma_wait3A_110 = arith.constant 0 : i32
      %dma_wait3A_111 = tpu.memref_slice %arg3[%dma_wait3A_110, %mul3A_38] : memref<2x320000xi32, #tpu.memory_space<hbm>> -> memref<2x128xi32, #tpu.memory_space<hbm>>
      tpu.wait_dma2 semaphore(%run_scoped3A : memref<!tpu.dma_semaphore, #tpu.memory_space<semaphore_mem>>) src(%dma_wait3A_111 : memref<2x128xi32, #tpu.memory_space<hbm>>) dst(%arg9 : memref<2x128xi32, #tpu.memory_space<vmem>>)
      tpu.yield
    }) : () -> ()
    %add3A_39 = arith.constant 1 : i32
    %add3A_40 = arith.addi %select_n3A_33, %add3A_39 : i32
    %mul3A_41 = arith.constant 128 : i32
    %mul3A_42 = arith.muli %add3A_40, %mul3A_41 : i32
    %dma_start3A = arith.constant 0 : i32
    %dma_start3A_43 = tpu.memref_slice %arg3[%dma_start3A, %mul3A_42] : memref<2x320000xi32, #tpu.memory_space<hbm>> -> memref<2x128xi32, #tpu.memory_space<hbm>>
    %dma_start3A_44 = arith.constant 0 : i32
    %dma_start3A_45 = tpu.memref_slice %arg3[%dma_start3A_44, %mul3A_42] : memref<2x320000xi32, #tpu.memory_space<hbm>> -> memref<2x128xi32, #tpu.memory_space<hbm>>
    tpu.enqueue_dma source(%dma_start3A_45 : memref<2x128xi32, #tpu.memory_space<hbm>>) target(%arg10 : memref<2x128xi32, #tpu.memory_space<vmem>>) target_semaphore(%arg17 : memref<!tpu.dma_semaphore, #tpu.memory_space<semaphore_mem>>)
    %add3A_46 = arith.constant 2 : i32
    %add3A_47 = arith.addi %select_n3A_33, %add3A_46 : i32
    %mul3A_48 = arith.constant 128 : i32
    %mul3A_49 = arith.muli %add3A_47, %mul3A_48 : i32
    %dma_start3A_50 = arith.constant 0 : i32
    %dma_start3A_51 = tpu.memref_slice %arg3[%dma_start3A_50, %mul3A_49] : memref<2x320000xi32, #tpu.memory_space<hbm>> -> memref<2x128xi32, #tpu.memory_space<hbm>>
    %dma_start3A_52 = arith.constant 0 : i32
    %dma_start3A_53 = tpu.memref_slice %arg3[%dma_start3A_52, %mul3A_49] : memref<2x320000xi32, #tpu.memory_space<hbm>> -> memref<2x128xi32, #tpu.memory_space<hbm>>
    tpu.enqueue_dma source(%dma_start3A_53 : memref<2x128xi32, #tpu.memory_space<hbm>>) target(%arg11 : memref<2x128xi32, #tpu.memory_space<vmem>>) target_semaphore(%arg18 : memref<!tpu.dma_semaphore, #tpu.memory_space<semaphore_mem>>)
    %dma_start3A_54 = arith.constant 0 : i32
    %dma_start3A_55 = arith.constant 0 : i32
    %dma_start3A_56 = tpu.memref_slice %arg9[%dma_start3A_54, %dma_start3A_55] : memref<2x128xi32, #tpu.memory_space<vmem>> -> memref<1x128xi32, #tpu.memory_space<vmem>>
    %dma_start3A_57 = tpu.memref_squeeze %dma_start3A_56 : memref<1x128xi32, #tpu.memory_space<vmem>> -> memref<128xi32, #tpu.memory_space<vmem>>
    %dma_start3A_58 = arith.constant 0 : i32
    %dma_start3A_59 = arith.constant 0 : i32
    %dma_start3A_60 = tpu.memref_slice %arg2[%dma_start3A_58, %dma_start3A_59] : memref<10000x128xf32, #tpu.memory_space<hbm>> -> memref<10000x128xf32, #tpu.memory_space<hbm>>
    tpu.enqueue_indirect_dma source(%dma_start3A_60 : memref<10000x128xf32, #tpu.memory_space<hbm>>) target(%arg6 : memref<128x128xf32, #tpu.memory_space<vmem>>) offsets(%dma_start3A_57 : memref<128xi32, #tpu.memory_space<vmem>>) semaphore(%arg13 : memref<!tpu.dma_semaphore, #tpu.memory_space<semaphore_mem>>)
    %dma_wait3A = arith.constant 0 : i32
    %dma_wait3A_61 = arith.constant 0 : i32
    %dma_wait3A_62 = tpu.memref_slice %arg3[%dma_wait3A, %dma_wait3A_61] : memref<2x320000xi32, #tpu.memory_space<hbm>> -> memref<2x128xi32, #tpu.memory_space<hbm>>
    %dma_wait3A_63 = arith.constant 0 : i32
    %dma_wait3A_64 = arith.constant 0 : i32
    %dma_wait3A_65 = tpu.memref_slice %arg3[%dma_wait3A_63, %dma_wait3A_64] : memref<2x320000xi32, #tpu.memory_space<hbm>> -> memref<2x128xi32, #tpu.memory_space<hbm>>
    tpu.wait_dma2 semaphore(%arg17 : memref<!tpu.dma_semaphore, #tpu.memory_space<semaphore_mem>>) src(%dma_wait3A_65 : memref<2x128xi32, #tpu.memory_space<hbm>>) dst(%arg10 : memref<2x128xi32, #tpu.memory_space<vmem>>)
    %dma_start3A_66 = arith.constant 0 : i32
    %dma_start3A_67 = arith.constant 0 : i32
    %dma_start3A_68 = tpu.memref_slice %arg10[%dma_start3A_66, %dma_start3A_67] : memref<2x128xi32, #tpu.memory_space<vmem>> -> memref<1x128xi32, #tpu.memory_space<vmem>>
    %dma_start3A_69 = tpu.memref_squeeze %dma_start3A_68 : memref<1x128xi32, #tpu.memory_space<vmem>> -> memref<128xi32, #tpu.memory_space<vmem>>
    %dma_start3A_70 = arith.constant 0 : i32
    %dma_start3A_71 = arith.constant 0 : i32
    %dma_start3A_72 = tpu.memref_slice %arg2[%dma_start3A_70, %dma_start3A_71] : memref<10000x128xf32, #tpu.memory_space<hbm>> -> memref<10000x128xf32, #tpu.memory_space<hbm>>
    tpu.enqueue_indirect_dma source(%dma_start3A_72 : memref<10000x128xf32, #tpu.memory_space<hbm>>) target(%arg7 : memref<128x128xf32, #tpu.memory_space<vmem>>) offsets(%dma_start3A_69 : memref<128xi32, #tpu.memory_space<vmem>>) semaphore(%arg14 : memref<!tpu.dma_semaphore, #tpu.memory_space<semaphore_mem>>)
    %add3A_73 = arith.constant 2 : i32
    %add3A_74 = arith.addi %select_n3A_36, %add3A_73 : i32
    %jit3A_75 = arith.constant 3 : i32
    %div3A = arith.divsi %add3A_74, %jit3A_75 : i32
    %sign3A = arith.constant 0 : i32
    %sign3A_76 = arith.cmpi sgt, %add3A_74, %sign3A : i32
    %sign3A_77 = arith.extui %sign3A_76 : i1 to i32
    %sign3A_78 = arith.constant 0 : i32
    %sign3A_79 = arith.cmpi slt, %add3A_74, %sign3A_78 : i32
    %sign3A_80 = arith.extui %sign3A_79 : i1 to i32
    %sign3A_81 = arith.subi %sign3A_77, %sign3A_80 : i32
    %sign3A_82 = arith.constant 0 : i32
    %sign3A_83 = arith.cmpi sgt, %jit3A_75, %sign3A_82 : i32
    %sign3A_84 = arith.extui %sign3A_83 : i1 to i32
    %sign3A_85 = arith.constant 0 : i32
    %sign3A_86 = arith.cmpi slt, %jit3A_75, %sign3A_85 : i32
    %sign3A_87 = arith.extui %sign3A_86 : i1 to i32
    %sign3A_88 = arith.subi %sign3A_84, %sign3A_87 : i32
    %ne3A = arith.cmpi ne, %sign3A_81, %sign3A_88 : i32
    %rem3A = arith.remsi %add3A_74, %jit3A_75 : i32
    %ne3A_89 = arith.constant 0 : i32
    %ne3A_90 = arith.cmpi ne, %rem3A, %ne3A_89 : i32
    %and3A = arith.andi %ne3A, %ne3A_90 : i1
    %sub3A = arith.constant 1 : i32
    %sub3A_91 = arith.subi %div3A, %sub3A : i32
    %select_n3A_92 = arith.select %and3A, %sub3A_91, %div3A : i32
    %while3A = arith.constant 0 : i32
    %while3A_93 = arith.constant 0 : i32
    %while3A_94 = arith.subi %select_n3A_92, %while3A_93 : i32
    %while3A_95 = arith.addi %while3A_93, %while3A_94 : i32
    %while3A_96 = arith.constant 1 : i32
    %while3A_97 = arith.divsi %while3A_94, %while3A_96 : i32
    %while3A_98 = arith.muli %while3A_97, %while3A_96 : i32
    %while3A_99 = arith.addi %while3A_93, %while3A_98 : i32
    %while3A_100 = arith.constant 1 : i32
    scf.for %while3A_104 = %while3A_93 to %while3A_99 step %while3A_100  : i32 {
      %mul3A_105 = arith.constant 3 : i32
      %mul3A_106 = arith.muli %mul3A_105, %while3A_104 : i32
      %add3A_107 = arith.constant 0 : i32
      %add3A_108 = arith.addi %mul3A_106, %add3A_107 : i32
      %lt3A_109 = arith.cmpi slt, %add3A_108, %select_n3A_36 : i32
      %convert_element_type3A = arith.extui %lt3A_109 : i1 to i32
      %cond3A = arith.constant 0 : i32
      %cond3A_110 = arith.cmpi ne, %convert_element_type3A, %cond3A : i32
      scf.if %cond3A_110 {
        %dma_wait3A_163 = arith.constant 0 : i32
        %dma_wait3A_164 = arith.constant 0 : i32
        %dma_wait3A_165 = tpu.memref_slice %arg2[%dma_wait3A_163, %dma_wait3A_164] : memref<10000x128xf32, #tpu.memory_space<hbm>> -> memref<128x128xf32, #tpu.memory_space<hbm>>
        %dma_wait3A_166 = arith.constant 0 : i32
        %dma_wait3A_167 = arith.constant 0 : i32
        %dma_wait3A_168 = tpu.memref_slice %arg2[%dma_wait3A_166, %dma_wait3A_167] : memref<10000x128xf32, #tpu.memory_space<hbm>> -> memref<128x128xf32, #tpu.memory_space<hbm>>
        tpu.wait_dma2 semaphore(%arg13 : memref<!tpu.dma_semaphore, #tpu.memory_space<semaphore_mem>>) src(%dma_wait3A_168 : memref<128x128xf32, #tpu.memory_space<hbm>>) dst(%arg6 : memref<128x128xf32, #tpu.memory_space<vmem>>)
        %run_scoped3A = arith.constant 1 : i32
        "tpu.region"() ({
          %run_scoped3A_169 = tpu.sem_alloc : memref<!tpu.dma_semaphore, #tpu.memory_space<semaphore_mem>>
          %dma_start3A_170 = arith.constant 0 : i32
          %dma_start3A_171 = tpu.memref_slice %arg9[%run_scoped3A, %dma_start3A_170] : memref<2x128xi32, #tpu.memory_space<vmem>> -> memref<1x128xi32, #tpu.memory_space<vmem>>
          %dma_start3A_172 = tpu.memref_squeeze %dma_start3A_171 : memref<1x128xi32, #tpu.memory_space<vmem>> -> memref<128xi32, #tpu.memory_space<vmem>>
          %dma_start3A_173 = arith.constant 0 : i32
          %dma_start3A_174 = arith.constant 0 : i32
          %dma_start3A_175 = tpu.memref_slice %arg12[%dma_start3A_173, %dma_start3A_174] : memref<10112x128xf32, #tpu.memory_space<vmem_shared>> -> memref<10112x128xf32, #tpu.memory_space<vmem_shared>>
          tpu.enqueue_indirect_dma source(%arg6 : memref<128x128xf32, #tpu.memory_space<vmem>>) target(%dma_start3A_175 : memref<10112x128xf32, #tpu.memory_space<vmem_shared>>) offsets(%dma_start3A_172 : memref<128xi32, #tpu.memory_space<vmem>>) semaphore(%run_scoped3A_169 : memref<!tpu.dma_semaphore, #tpu.memory_space<semaphore_mem>>) {add = true}
          %dma_wait3A_176 = arith.constant 0 : i32
          %dma_wait3A_177 = tpu.memref_slice %arg9[%run_scoped3A, %dma_wait3A_176] : memref<2x128xi32, #tpu.memory_space<vmem>> -> memref<1x128xi32, #tpu.memory_space<vmem>>
          %dma_wait3A_178 = tpu.memref_squeeze %dma_wait3A_177 : memref<1x128xi32, #tpu.memory_space<vmem>> -> memref<128xi32, #tpu.memory_space<vmem>>
          %dma_wait3A_179 = arith.constant 0 : i32
          %dma_wait3A_180 = arith.constant 0 : i32
          %dma_wait3A_181 = tpu.memref_slice %arg12[%dma_wait3A_179, %dma_wait3A_180] : memref<10112x128xf32, #tpu.memory_space<vmem_shared>> -> memref<10112x128xf32, #tpu.memory_space<vmem_shared>>
          tpu.wait_indirect_dma semaphore(%run_scoped3A_169 : memref<!tpu.dma_semaphore, #tpu.memory_space<semaphore_mem>>) src(%arg6 : memref<128x128xf32, #tpu.memory_space<vmem>>) dst(%dma_wait3A_181 : memref<10112x128xf32, #tpu.memory_space<vmem_shared>>)
          tpu.yield
        }) : () -> ()
      } else {
      }
      %add3A_111 = arith.constant 3 : i32
      %add3A_112 = arith.addi %add3A_108, %add3A_111 : i32
      %lt3A_113 = arith.cmpi slt, %add3A_112, %select_n3A_36 : i32
      %convert_element_type3A_114 = arith.extui %lt3A_113 : i1 to i32
      %cond3A_115 = arith.constant 0 : i32
      %cond3A_116 = arith.cmpi ne, %convert_element_type3A_114, %cond3A_115 : i32
      scf.if %cond3A_116 {
        %add3A_163 = arith.addi %select_n3A_33, %add3A_108 : i32
        %add3A_164 = arith.constant 3 : i32
        %add3A_165 = arith.addi %add3A_163, %add3A_164 : i32
        %mul3A_166 = arith.constant 128 : i32
        %mul3A_167 = arith.muli %add3A_165, %mul3A_166 : i32
        %dma_start3A_168 = arith.constant 0 : i32
        %dma_start3A_169 = tpu.memref_slice %arg3[%dma_start3A_168, %mul3A_167] : memref<2x320000xi32, #tpu.memory_space<hbm>> -> memref<2x128xi32, #tpu.memory_space<hbm>>
        %dma_start3A_170 = arith.constant 0 : i32
        %dma_start3A_171 = tpu.memref_slice %arg3[%dma_start3A_170, %mul3A_167] : memref<2x320000xi32, #tpu.memory_space<hbm>> -> memref<2x128xi32, #tpu.memory_space<hbm>>
        tpu.enqueue_dma source(%dma_start3A_171 : memref<2x128xi32, #tpu.memory_space<hbm>>) target(%arg9 : memref<2x128xi32, #tpu.memory_space<vmem>>) target_semaphore(%arg16 : memref<!tpu.dma_semaphore, #tpu.memory_space<semaphore_mem>>)
      } else {
      }
      %add3A_117 = arith.constant 2 : i32
      %add3A_118 = arith.addi %add3A_108, %add3A_117 : i32
      %lt3A_119 = arith.cmpi slt, %add3A_118, %select_n3A_36 : i32
      %convert_element_type3A_120 = arith.extui %lt3A_119 : i1 to i32
      %cond3A_121 = arith.constant 0 : i32
      %cond3A_122 = arith.cmpi ne, %convert_element_type3A_120, %cond3A_121 : i32
      scf.if %cond3A_122 {
        %dma_wait3A_163 = arith.constant 0 : i32
        %dma_wait3A_164 = arith.constant 0 : i32
        %dma_wait3A_165 = tpu.memref_slice %arg3[%dma_wait3A_163, %dma_wait3A_164] : memref<2x320000xi32, #tpu.memory_space<hbm>> -> memref<2x128xi32, #tpu.memory_space<hbm>>
        %dma_wait3A_166 = arith.constant 0 : i32
        %dma_wait3A_167 = arith.constant 0 : i32
        %dma_wait3A_168 = tpu.memref_slice %arg3[%dma_wait3A_166, %dma_wait3A_167] : memref<2x320000xi32, #tpu.memory_space<hbm>> -> memref<2x128xi32, #tpu.memory_space<hbm>>
        tpu.wait_dma2 semaphore(%arg18 : memref<!tpu.dma_semaphore, #tpu.memory_space<semaphore_mem>>) src(%dma_wait3A_168 : memref<2x128xi32, #tpu.memory_space<hbm>>) dst(%arg11 : memref<2x128xi32, #tpu.memory_space<vmem>>)
        %dma_start3A_169 = arith.constant 0 : i32
        %dma_start3A_170 = arith.constant 0 : i32
        %dma_start3A_171 = tpu.memref_slice %arg11[%dma_start3A_169, %dma_start3A_170] : memref<2x128xi32, #tpu.memory_space<vmem>> -> memref<1x128xi32, #tpu.memory_space<vmem>>
        %dma_start3A_172 = tpu.memref_squeeze %dma_start3A_171 : memref<1x128xi32, #tpu.memory_space<vmem>> -> memref<128xi32, #tpu.memory_space<vmem>>
        %dma_start3A_173 = arith.constant 0 : i32
        %dma_start3A_174 = arith.constant 0 : i32
        %dma_start3A_175 = tpu.memref_slice %arg2[%dma_start3A_173, %dma_start3A_174] : memref<10000x128xf32, #tpu.memory_space<hbm>> -> memref<10000x128xf32, #tpu.memory_space<hbm>>
        tpu.enqueue_indirect_dma source(%dma_start3A_175 : memref<10000x128xf32, #tpu.memory_space<hbm>>) target(%arg8 : memref<128x128xf32, #tpu.memory_space<vmem>>) offsets(%dma_start3A_172 : memref<128xi32, #tpu.memory_space<vmem>>) semaphore(%arg15 : memref<!tpu.dma_semaphore, #tpu.memory_space<semaphore_mem>>)
      } else {
      }
      %mul3A_123 = arith.constant 3 : i32
      %mul3A_124 = arith.muli %mul3A_123, %while3A_104 : i32
      %add3A_125 = arith.constant 1 : i32
      %add3A_126 = arith.addi %mul3A_124, %add3A_125 : i32
      %lt3A_127 = arith.cmpi slt, %add3A_126, %select_n3A_36 : i32
      %convert_element_type3A_128 = arith.extui %lt3A_127 : i1 to i32
      %cond3A_129 = arith.constant 0 : i32
      %cond3A_130 = arith.cmpi ne, %convert_element_type3A_128, %cond3A_129 : i32
      scf.if %cond3A_130 {
        %dma_wait3A_163 = arith.constant 0 : i32
        %dma_wait3A_164 = arith.constant 0 : i32
        %dma_wait3A_165 = tpu.memref_slice %arg2[%dma_wait3A_163, %dma_wait3A_164] : memref<10000x128xf32, #tpu.memory_space<hbm>> -> memref<128x128xf32, #tpu.memory_space<hbm>>
        %dma_wait3A_166 = arith.constant 0 : i32
        %dma_wait3A_167 = arith.constant 0 : i32
        %dma_wait3A_168 = tpu.memref_slice %arg2[%dma_wait3A_166, %dma_wait3A_167] : memref<10000x128xf32, #tpu.memory_space<hbm>> -> memref<128x128xf32, #tpu.memory_space<hbm>>
        tpu.wait_dma2 semaphore(%arg14 : memref<!tpu.dma_semaphore, #tpu.memory_space<semaphore_mem>>) src(%dma_wait3A_168 : memref<128x128xf32, #tpu.memory_space<hbm>>) dst(%arg7 : memref<128x128xf32, #tpu.memory_space<vmem>>)
        %run_scoped3A = arith.constant 1 : i32
        "tpu.region"() ({
          %run_scoped3A_169 = tpu.sem_alloc : memref<!tpu.dma_semaphore, #tpu.memory_space<semaphore_mem>>
          %dma_start3A_170 = arith.constant 0 : i32
          %dma_start3A_171 = tpu.memref_slice %arg10[%run_scoped3A, %dma_start3A_170] : memref<2x128xi32, #tpu.memory_space<vmem>> -> memref<1x128xi32, #tpu.memory_space<vmem>>
          %dma_start3A_172 = tpu.memref_squeeze %dma_start3A_171 : memref<1x128xi32, #tpu.memory_space<vmem>> -> memref<128xi32, #tpu.memory_space<vmem>>
          %dma_start3A_173 = arith.constant 0 : i32
          %dma_start3A_174 = arith.constant 0 : i32
          %dma_start3A_175 = tpu.memref_slice %arg12[%dma_start3A_173, %dma_start3A_174] : memref<10112x128xf32, #tpu.memory_space<vmem_shared>> -> memref<10112x128xf32, #tpu.memory_space<vmem_shared>>
          tpu.enqueue_indirect_dma source(%arg7 : memref<128x128xf32, #tpu.memory_space<vmem>>) target(%dma_start3A_175 : memref<10112x128xf32, #tpu.memory_space<vmem_shared>>) offsets(%dma_start3A_172 : memref<128xi32, #tpu.memory_space<vmem>>) semaphore(%run_scoped3A_169 : memref<!tpu.dma_semaphore, #tpu.memory_space<semaphore_mem>>) {add = true}
          %dma_wait3A_176 = arith.constant 0 : i32
          %dma_wait3A_177 = tpu.memref_slice %arg10[%run_scoped3A, %dma_wait3A_176] : memref<2x128xi32, #tpu.memory_space<vmem>> -> memref<1x128xi32, #tpu.memory_space<vmem>>
          %dma_wait3A_178 = tpu.memref_squeeze %dma_wait3A_177 : memref<1x128xi32, #tpu.memory_space<vmem>> -> memref<128xi32, #tpu.memory_space<vmem>>
          %dma_wait3A_179 = arith.constant 0 : i32
          %dma_wait3A_180 = arith.constant 0 : i32
          %dma_wait3A_181 = tpu.memref_slice %arg12[%dma_wait3A_179, %dma_wait3A_180] : memref<10112x128xf32, #tpu.memory_space<vmem_shared>> -> memref<10112x128xf32, #tpu.memory_space<vmem_shared>>
          tpu.wait_indirect_dma semaphore(%run_scoped3A_169 : memref<!tpu.dma_semaphore, #tpu.memory_space<semaphore_mem>>) src(%arg7 : memref<128x128xf32, #tpu.memory_space<vmem>>) dst(%dma_wait3A_181 : memref<10112x128xf32, #tpu.memory_space<vmem_shared>>)
          tpu.yield
        }) : () -> ()
      } else {
      }
      %add3A_131 = arith.constant 3 : i32
      %add3A_132 = arith.addi %add3A_126, %add3A_131 : i32
      %lt3A_133 = arith.cmpi slt, %add3A_132, %select_n3A_36 : i32
      %convert_element_type3A_134 = arith.extui %lt3A_133 : i1 to i32
      %cond3A_135 = arith.constant 0 : i32
      %cond3A_136 = arith.cmpi ne, %convert_element_type3A_134, %cond3A_135 : i32
      scf.if %cond3A_136 {
        %add3A_163 = arith.addi %select_n3A_33, %add3A_126 : i32
        %add3A_164 = arith.constant 3 : i32
        %add3A_165 = arith.addi %add3A_163, %add3A_164 : i32
        %mul3A_166 = arith.constant 128 : i32
        %mul3A_167 = arith.muli %add3A_165, %mul3A_166 : i32
        %dma_start3A_168 = arith.constant 0 : i32
        %dma_start3A_169 = tpu.memref_slice %arg3[%dma_start3A_168, %mul3A_167] : memref<2x320000xi32, #tpu.memory_space<hbm>> -> memref<2x128xi32, #tpu.memory_space<hbm>>
        %dma_start3A_170 = arith.constant 0 : i32
        %dma_start3A_171 = tpu.memref_slice %arg3[%dma_start3A_170, %mul3A_167] : memref<2x320000xi32, #tpu.memory_space<hbm>> -> memref<2x128xi32, #tpu.memory_space<hbm>>
        tpu.enqueue_dma source(%dma_start3A_171 : memref<2x128xi32, #tpu.memory_space<hbm>>) target(%arg10 : memref<2x128xi32, #tpu.memory_space<vmem>>) target_semaphore(%arg17 : memref<!tpu.dma_semaphore, #tpu.memory_space<semaphore_mem>>)
      } else {
      }
      %add3A_137 = arith.constant 2 : i32
      %add3A_138 = arith.addi %add3A_126, %add3A_137 : i32
      %lt3A_139 = arith.cmpi slt, %add3A_138, %select_n3A_36 : i32
      %convert_element_type3A_140 = arith.extui %lt3A_139 : i1 to i32
      %cond3A_141 = arith.constant 0 : i32
      %cond3A_142 = arith.cmpi ne, %convert_element_type3A_140, %cond3A_141 : i32
      scf.if %cond3A_142 {
        %dma_wait3A_163 = arith.constant 0 : i32
        %dma_wait3A_164 = arith.constant 0 : i32
        %dma_wait3A_165 = tpu.memref_slice %arg3[%dma_wait3A_163, %dma_wait3A_164] : memref<2x320000xi32, #tpu.memory_space<hbm>> -> memref<2x128xi32, #tpu.memory_space<hbm>>
        %dma_wait3A_166 = arith.constant 0 : i32
        %dma_wait3A_167 = arith.constant 0 : i32
        %dma_wait3A_168 = tpu.memref_slice %arg3[%dma_wait3A_166, %dma_wait3A_167] : memref<2x320000xi32, #tpu.memory_space<hbm>> -> memref<2x128xi32, #tpu.memory_space<hbm>>
        tpu.wait_dma2 semaphore(%arg16 : memref<!tpu.dma_semaphore, #tpu.memory_space<semaphore_mem>>) src(%dma_wait3A_168 : memref<2x128xi32, #tpu.memory_space<hbm>>) dst(%arg9 : memref<2x128xi32, #tpu.memory_space<vmem>>)
        %dma_start3A_169 = arith.constant 0 : i32
        %dma_start3A_170 = arith.constant 0 : i32
        %dma_start3A_171 = tpu.memref_slice %arg9[%dma_start3A_169, %dma_start3A_170] : memref<2x128xi32, #tpu.memory_space<vmem>> -> memref<1x128xi32, #tpu.memory_space<vmem>>
        %dma_start3A_172 = tpu.memref_squeeze %dma_start3A_171 : memref<1x128xi32, #tpu.memory_space<vmem>> -> memref<128xi32, #tpu.memory_space<vmem>>
        %dma_start3A_173 = arith.constant 0 : i32
        %dma_start3A_174 = arith.constant 0 : i32
        %dma_start3A_175 = tpu.memref_slice %arg2[%dma_start3A_173, %dma_start3A_174] : memref<10000x128xf32, #tpu.memory_space<hbm>> -> memref<10000x128xf32, #tpu.memory_space<hbm>>
        tpu.enqueue_indirect_dma source(%dma_start3A_175 : memref<10000x128xf32, #tpu.memory_space<hbm>>) target(%arg6 : memref<128x128xf32, #tpu.memory_space<vmem>>) offsets(%dma_start3A_172 : memref<128xi32, #tpu.memory_space<vmem>>) semaphore(%arg13 : memref<!tpu.dma_semaphore, #tpu.memory_space<semaphore_mem>>)
      } else {
      }
      %mul3A_143 = arith.constant 3 : i32
      %mul3A_144 = arith.muli %mul3A_143, %while3A_104 : i32
      %add3A_145 = arith.constant 2 : i32
      %add3A_146 = arith.addi %mul3A_144, %add3A_145 : i32
      %lt3A_147 = arith.cmpi slt, %add3A_146, %select_n3A_36 : i32
      %convert_element_type3A_148 = arith.extui %lt3A_147 : i1 to i32
      %cond3A_149 = arith.constant 0 : i32
      %cond3A_150 = arith.cmpi ne, %convert_element_type3A_148, %cond3A_149 : i32
      scf.if %cond3A_150 {
        %dma_wait3A_163 = arith.constant 0 : i32
        %dma_wait3A_164 = arith.constant 0 : i32
        %dma_wait3A_165 = tpu.memref_slice %arg2[%dma_wait3A_163, %dma_wait3A_164] : memref<10000x128xf32, #tpu.memory_space<hbm>> -> memref<128x128xf32, #tpu.memory_space<hbm>>
        %dma_wait3A_166 = arith.constant 0 : i32
        %dma_wait3A_167 = arith.constant 0 : i32
        %dma_wait3A_168 = tpu.memref_slice %arg2[%dma_wait3A_166, %dma_wait3A_167] : memref<10000x128xf32, #tpu.memory_space<hbm>> -> memref<128x128xf32, #tpu.memory_space<hbm>>
        tpu.wait_dma2 semaphore(%arg15 : memref<!tpu.dma_semaphore, #tpu.memory_space<semaphore_mem>>) src(%dma_wait3A_168 : memref<128x128xf32, #tpu.memory_space<hbm>>) dst(%arg8 : memref<128x128xf32, #tpu.memory_space<vmem>>)
        %run_scoped3A = arith.constant 1 : i32
        "tpu.region"() ({
          %run_scoped3A_169 = tpu.sem_alloc : memref<!tpu.dma_semaphore, #tpu.memory_space<semaphore_mem>>
          %dma_start3A_170 = arith.constant 0 : i32
          %dma_start3A_171 = tpu.memref_slice %arg11[%run_scoped3A, %dma_start3A_170] : memref<2x128xi32, #tpu.memory_space<vmem>> -> memref<1x128xi32, #tpu.memory_space<vmem>>
          %dma_start3A_172 = tpu.memref_squeeze %dma_start3A_171 : memref<1x128xi32, #tpu.memory_space<vmem>> -> memref<128xi32, #tpu.memory_space<vmem>>
          %dma_start3A_173 = arith.constant 0 : i32
          %dma_start3A_174 = arith.constant 0 : i32
          %dma_start3A_175 = tpu.memref_slice %arg12[%dma_start3A_173, %dma_start3A_174] : memref<10112x128xf32, #tpu.memory_space<vmem_shared>> -> memref<10112x128xf32, #tpu.memory_space<vmem_shared>>
          tpu.enqueue_indirect_dma source(%arg8 : memref<128x128xf32, #tpu.memory_space<vmem>>) target(%dma_start3A_175 : memref<10112x128xf32, #tpu.memory_space<vmem_shared>>) offsets(%dma_start3A_172 : memref<128xi32, #tpu.memory_space<vmem>>) semaphore(%run_scoped3A_169 : memref<!tpu.dma_semaphore, #tpu.memory_space<semaphore_mem>>) {add = true}
          %dma_wait3A_176 = arith.constant 0 : i32
          %dma_wait3A_177 = tpu.memref_slice %arg11[%run_scoped3A, %dma_wait3A_176] : memref<2x128xi32, #tpu.memory_space<vmem>> -> memref<1x128xi32, #tpu.memory_space<vmem>>
          %dma_wait3A_178 = tpu.memref_squeeze %dma_wait3A_177 : memref<1x128xi32, #tpu.memory_space<vmem>> -> memref<128xi32, #tpu.memory_space<vmem>>
          %dma_wait3A_179 = arith.constant 0 : i32
          %dma_wait3A_180 = arith.constant 0 : i32
          %dma_wait3A_181 = tpu.memref_slice %arg12[%dma_wait3A_179, %dma_wait3A_180] : memref<10112x128xf32, #tpu.memory_space<vmem_shared>> -> memref<10112x128xf32, #tpu.memory_space<vmem_shared>>
          tpu.wait_indirect_dma semaphore(%run_scoped3A_169 : memref<!tpu.dma_semaphore, #tpu.memory_space<semaphore_mem>>) src(%arg8 : memref<128x128xf32, #tpu.memory_space<vmem>>) dst(%dma_wait3A_181 : memref<10112x128xf32, #tpu.memory_space<vmem_shared>>)
          tpu.yield
        }) : () -> ()
      } else {
      }
      %add3A_151 = arith.constant 3 : i32
      %add3A_152 = arith.addi %add3A_146, %add3A_151 : i32
      %lt3A_153 = arith.cmpi slt, %add3A_152, %select_n3A_36 : i32
      %convert_element_type3A_154 = arith.extui %lt3A_153 : i1 to i32
      %cond3A_155 = arith.constant 0 : i32
      %cond3A_156 = arith.cmpi ne, %convert_element_type3A_154, %cond3A_155 : i32
      scf.if %cond3A_156 {
        %add3A_163 = arith.addi %select_n3A_33, %add3A_146 : i32
        %add3A_164 = arith.constant 3 : i32
        %add3A_165 = arith.addi %add3A_163, %add3A_164 : i32
        %mul3A_166 = arith.constant 128 : i32
        %mul3A_167 = arith.muli %add3A_165, %mul3A_166 : i32
        %dma_start3A_168 = arith.constant 0 : i32
        %dma_start3A_169 = tpu.memref_slice %arg3[%dma_start3A_168, %mul3A_167] : memref<2x320000xi32, #tpu.memory_space<hbm>> -> memref<2x128xi32, #tpu.memory_space<hbm>>
        %dma_start3A_170 = arith.constant 0 : i32
        %dma_start3A_171 = tpu.memref_slice %arg3[%dma_start3A_170, %mul3A_167] : memref<2x320000xi32, #tpu.memory_space<hbm>> -> memref<2x128xi32, #tpu.memory_space<hbm>>
        tpu.enqueue_dma source(%dma_start3A_171 : memref<2x128xi32, #tpu.memory_space<hbm>>) target(%arg11 : memref<2x128xi32, #tpu.memory_space<vmem>>) target_semaphore(%arg18 : memref<!tpu.dma_semaphore, #tpu.memory_space<semaphore_mem>>)
      } else {
      }
      %add3A_157 = arith.constant 2 : i32
      %add3A_158 = arith.addi %add3A_146, %add3A_157 : i32
      %lt3A_159 = arith.cmpi slt, %add3A_158, %select_n3A_36 : i32
      %convert_element_type3A_160 = arith.extui %lt3A_159 : i1 to i32
      %cond3A_161 = arith.constant 0 : i32
      %cond3A_162 = arith.cmpi ne, %convert_element_type3A_160, %cond3A_161 : i32
      scf.if %cond3A_162 {
        %dma_wait3A_163 = arith.constant 0 : i32
        %dma_wait3A_164 = arith.constant 0 : i32
        %dma_wait3A_165 = tpu.memref_slice %arg3[%dma_wait3A_163, %dma_wait3A_164] : memref<2x320000xi32, #tpu.memory_space<hbm>> -> memref<2x128xi32, #tpu.memory_space<hbm>>
        %dma_wait3A_166 = arith.constant 0 : i32
        %dma_wait3A_167 = arith.constant 0 : i32
        %dma_wait3A_168 = tpu.memref_slice %arg3[%dma_wait3A_166, %dma_wait3A_167] : memref<2x320000xi32, #tpu.memory_space<hbm>> -> memref<2x128xi32, #tpu.memory_space<hbm>>
        tpu.wait_dma2 semaphore(%arg17 : memref<!tpu.dma_semaphore, #tpu.memory_space<semaphore_mem>>) src(%dma_wait3A_168 : memref<2x128xi32, #tpu.memory_space<hbm>>) dst(%arg10 : memref<2x128xi32, #tpu.memory_space<vmem>>)
        %dma_start3A_169 = arith.constant 0 : i32
        %dma_start3A_170 = arith.constant 0 : i32
        %dma_start3A_171 = tpu.memref_slice %arg10[%dma_start3A_169, %dma_start3A_170] : memref<2x128xi32, #tpu.memory_space<vmem>> -> memref<1x128xi32, #tpu.memory_space<vmem>>
        %dma_start3A_172 = tpu.memref_squeeze %dma_start3A_171 : memref<1x128xi32, #tpu.memory_space<vmem>> -> memref<128xi32, #tpu.memory_space<vmem>>
        %dma_start3A_173 = arith.constant 0 : i32
        %dma_start3A_174 = arith.constant 0 : i32
        %dma_start3A_175 = tpu.memref_slice %arg2[%dma_start3A_173, %dma_start3A_174] : memref<10000x128xf32, #tpu.memory_space<hbm>> -> memref<10000x128xf32, #tpu.memory_space<hbm>>
        tpu.enqueue_indirect_dma source(%dma_start3A_175 : memref<10000x128xf32, #tpu.memory_space<hbm>>) target(%arg7 : memref<128x128xf32, #tpu.memory_space<vmem>>) offsets(%dma_start3A_172 : memref<128xi32, #tpu.memory_space<vmem>>) semaphore(%arg14 : memref<!tpu.dma_semaphore, #tpu.memory_space<semaphore_mem>>)
      } else {
      }
    }
    %while3A_101 = arith.constant 1 : i32
    scf.for %while3A_104 = %while3A_99 to %while3A_95 step %while3A_101  : i32 {
      %mul3A_105 = arith.constant 3 : i32
      %mul3A_106 = arith.muli %mul3A_105, %while3A_104 : i32
      %add3A_107 = arith.constant 0 : i32
      %add3A_108 = arith.addi %mul3A_106, %add3A_107 : i32
      %lt3A_109 = arith.cmpi slt, %add3A_108, %select_n3A_36 : i32
      %convert_element_type3A = arith.extui %lt3A_109 : i1 to i32
      %cond3A = arith.constant 0 : i32
      %cond3A_110 = arith.cmpi ne, %convert_element_type3A, %cond3A : i32
      scf.if %cond3A_110 {
        %dma_wait3A_163 = arith.constant 0 : i32
        %dma_wait3A_164 = arith.constant 0 : i32
        %dma_wait3A_165 = tpu.memref_slice %arg2[%dma_wait3A_163, %dma_wait3A_164] : memref<10000x128xf32, #tpu.memory_space<hbm>> -> memref<128x128xf32, #tpu.memory_space<hbm>>
        %dma_wait3A_166 = arith.constant 0 : i32
        %dma_wait3A_167 = arith.constant 0 : i32
        %dma_wait3A_168 = tpu.memref_slice %arg2[%dma_wait3A_166, %dma_wait3A_167] : memref<10000x128xf32, #tpu.memory_space<hbm>> -> memref<128x128xf32, #tpu.memory_space<hbm>>
        tpu.wait_dma2 semaphore(%arg13 : memref<!tpu.dma_semaphore, #tpu.memory_space<semaphore_mem>>) src(%dma_wait3A_168 : memref<128x128xf32, #tpu.memory_space<hbm>>) dst(%arg6 : memref<128x128xf32, #tpu.memory_space<vmem>>)
        %run_scoped3A = arith.constant 1 : i32
        "tpu.region"() ({
          %run_scoped3A_169 = tpu.sem_alloc : memref<!tpu.dma_semaphore, #tpu.memory_space<semaphore_mem>>
          %dma_start3A_170 = arith.constant 0 : i32
          %dma_start3A_171 = tpu.memref_slice %arg9[%run_scoped3A, %dma_start3A_170] : memref<2x128xi32, #tpu.memory_space<vmem>> -> memref<1x128xi32, #tpu.memory_space<vmem>>
          %dma_start3A_172 = tpu.memref_squeeze %dma_start3A_171 : memref<1x128xi32, #tpu.memory_space<vmem>> -> memref<128xi32, #tpu.memory_space<vmem>>
          %dma_start3A_173 = arith.constant 0 : i32
          %dma_start3A_174 = arith.constant 0 : i32
          %dma_start3A_175 = tpu.memref_slice %arg12[%dma_start3A_173, %dma_start3A_174] : memref<10112x128xf32, #tpu.memory_space<vmem_shared>> -> memref<10112x128xf32, #tpu.memory_space<vmem_shared>>
          tpu.enqueue_indirect_dma source(%arg6 : memref<128x128xf32, #tpu.memory_space<vmem>>) target(%dma_start3A_175 : memref<10112x128xf32, #tpu.memory_space<vmem_shared>>) offsets(%dma_start3A_172 : memref<128xi32, #tpu.memory_space<vmem>>) semaphore(%run_scoped3A_169 : memref<!tpu.dma_semaphore, #tpu.memory_space<semaphore_mem>>) {add = true}
          %dma_wait3A_176 = arith.constant 0 : i32
          %dma_wait3A_177 = tpu.memref_slice %arg9[%run_scoped3A, %dma_wait3A_176] : memref<2x128xi32, #tpu.memory_space<vmem>> -> memref<1x128xi32, #tpu.memory_space<vmem>>
          %dma_wait3A_178 = tpu.memref_squeeze %dma_wait3A_177 : memref<1x128xi32, #tpu.memory_space<vmem>> -> memref<128xi32, #tpu.memory_space<vmem>>
          %dma_wait3A_179 = arith.constant 0 : i32
          %dma_wait3A_180 = arith.constant 0 : i32
          %dma_wait3A_181 = tpu.memref_slice %arg12[%dma_wait3A_179, %dma_wait3A_180] : memref<10112x128xf32, #tpu.memory_space<vmem_shared>> -> memref<10112x128xf32, #tpu.memory_space<vmem_shared>>
          tpu.wait_indirect_dma semaphore(%run_scoped3A_169 : memref<!tpu.dma_semaphore, #tpu.memory_space<semaphore_mem>>) src(%arg6 : memref<128x128xf32, #tpu.memory_space<vmem>>) dst(%dma_wait3A_181 : memref<10112x128xf32, #tpu.memory_space<vmem_shared>>)
          tpu.yield
        }) : () -> ()
      } else {
      }
      %add3A_111 = arith.constant 3 : i32
      %add3A_112 = arith.addi %add3A_108, %add3A_111 : i32
      %lt3A_113 = arith.cmpi slt, %add3A_112, %select_n3A_36 : i32
      %convert_element_type3A_114 = arith.extui %lt3A_113 : i1 to i32
      %cond3A_115 = arith.constant 0 : i32
      %cond3A_116 = arith.cmpi ne, %convert_element_type3A_114, %cond3A_115 : i32
      scf.if %cond3A_116 {
        %add3A_163 = arith.addi %select_n3A_33, %add3A_108 : i32
        %add3A_164 = arith.constant 3 : i32
        %add3A_165 = arith.addi %add3A_163, %add3A_164 : i32
        %mul3A_166 = arith.constant 128 : i32
        %mul3A_167 = arith.muli %add3A_165, %mul3A_166 : i32
        %dma_start3A_168 = arith.constant 0 : i32
        %dma_start3A_169 = tpu.memref_slice %arg3[%dma_start3A_168, %mul3A_167] : memref<2x320000xi32, #tpu.memory_space<hbm>> -> memref<2x128xi32, #tpu.memory_space<hbm>>
        %dma_start3A_170 = arith.constant 0 : i32
        %dma_start3A_171 = tpu.memref_slice %arg3[%dma_start3A_170, %mul3A_167] : memref<2x320000xi32, #tpu.memory_space<hbm>> -> memref<2x128xi32, #tpu.memory_space<hbm>>
        tpu.enqueue_dma source(%dma_start3A_171 : memref<2x128xi32, #tpu.memory_space<hbm>>) target(%arg9 : memref<2x128xi32, #tpu.memory_space<vmem>>) target_semaphore(%arg16 : memref<!tpu.dma_semaphore, #tpu.memory_space<semaphore_mem>>)
      } else {
      }
      %add3A_117 = arith.constant 2 : i32
      %add3A_118 = arith.addi %add3A_108, %add3A_117 : i32
      %lt3A_119 = arith.cmpi slt, %add3A_118, %select_n3A_36 : i32
      %convert_element_type3A_120 = arith.extui %lt3A_119 : i1 to i32
      %cond3A_121 = arith.constant 0 : i32
      %cond3A_122 = arith.cmpi ne, %convert_element_type3A_120, %cond3A_121 : i32
      scf.if %cond3A_122 {
        %dma_wait3A_163 = arith.constant 0 : i32
        %dma_wait3A_164 = arith.constant 0 : i32
        %dma_wait3A_165 = tpu.memref_slice %arg3[%dma_wait3A_163, %dma_wait3A_164] : memref<2x320000xi32, #tpu.memory_space<hbm>> -> memref<2x128xi32, #tpu.memory_space<hbm>>
        %dma_wait3A_166 = arith.constant 0 : i32
        %dma_wait3A_167 = arith.constant 0 : i32
        %dma_wait3A_168 = tpu.memref_slice %arg3[%dma_wait3A_166, %dma_wait3A_167] : memref<2x320000xi32, #tpu.memory_space<hbm>> -> memref<2x128xi32, #tpu.memory_space<hbm>>
        tpu.wait_dma2 semaphore(%arg18 : memref<!tpu.dma_semaphore, #tpu.memory_space<semaphore_mem>>) src(%dma_wait3A_168 : memref<2x128xi32, #tpu.memory_space<hbm>>) dst(%arg11 : memref<2x128xi32, #tpu.memory_space<vmem>>)
        %dma_start3A_169 = arith.constant 0 : i32
        %dma_start3A_170 = arith.constant 0 : i32
        %dma_start3A_171 = tpu.memref_slice %arg11[%dma_start3A_169, %dma_start3A_170] : memref<2x128xi32, #tpu.memory_space<vmem>> -> memref<1x128xi32, #tpu.memory_space<vmem>>
        %dma_start3A_172 = tpu.memref_squeeze %dma_start3A_171 : memref<1x128xi32, #tpu.memory_space<vmem>> -> memref<128xi32, #tpu.memory_space<vmem>>
        %dma_start3A_173 = arith.constant 0 : i32
        %dma_start3A_174 = arith.constant 0 : i32
        %dma_start3A_175 = tpu.memref_slice %arg2[%dma_start3A_173, %dma_start3A_174] : memref<10000x128xf32, #tpu.memory_space<hbm>> -> memref<10000x128xf32, #tpu.memory_space<hbm>>
        tpu.enqueue_indirect_dma source(%dma_start3A_175 : memref<10000x128xf32, #tpu.memory_space<hbm>>) target(%arg8 : memref<128x128xf32, #tpu.memory_space<vmem>>) offsets(%dma_start3A_172 : memref<128xi32, #tpu.memory_space<vmem>>) semaphore(%arg15 : memref<!tpu.dma_semaphore, #tpu.memory_space<semaphore_mem>>)
      } else {
      }
      %mul3A_123 = arith.constant 3 : i32
      %mul3A_124 = arith.muli %mul3A_123, %while3A_104 : i32
      %add3A_125 = arith.constant 1 : i32
      %add3A_126 = arith.addi %mul3A_124, %add3A_125 : i32
      %lt3A_127 = arith.cmpi slt, %add3A_126, %select_n3A_36 : i32
      %convert_element_type3A_128 = arith.extui %lt3A_127 : i1 to i32
      %cond3A_129 = arith.constant 0 : i32
      %cond3A_130 = arith.cmpi ne, %convert_element_type3A_128, %cond3A_129 : i32
      scf.if %cond3A_130 {
        %dma_wait3A_163 = arith.constant 0 : i32
        %dma_wait3A_164 = arith.constant 0 : i32
        %dma_wait3A_165 = tpu.memref_slice %arg2[%dma_wait3A_163, %dma_wait3A_164] : memref<10000x128xf32, #tpu.memory_space<hbm>> -> memref<128x128xf32, #tpu.memory_space<hbm>>
        %dma_wait3A_166 = arith.constant 0 : i32
        %dma_wait3A_167 = arith.constant 0 : i32
        %dma_wait3A_168 = tpu.memref_slice %arg2[%dma_wait3A_166, %dma_wait3A_167] : memref<10000x128xf32, #tpu.memory_space<hbm>> -> memref<128x128xf32, #tpu.memory_space<hbm>>
        tpu.wait_dma2 semaphore(%arg14 : memref<!tpu.dma_semaphore, #tpu.memory_space<semaphore_mem>>) src(%dma_wait3A_168 : memref<128x128xf32, #tpu.memory_space<hbm>>) dst(%arg7 : memref<128x128xf32, #tpu.memory_space<vmem>>)
        %run_scoped3A = arith.constant 1 : i32
        "tpu.region"() ({
          %run_scoped3A_169 = tpu.sem_alloc : memref<!tpu.dma_semaphore, #tpu.memory_space<semaphore_mem>>
          %dma_start3A_170 = arith.constant 0 : i32
          %dma_start3A_171 = tpu.memref_slice %arg10[%run_scoped3A, %dma_start3A_170] : memref<2x128xi32, #tpu.memory_space<vmem>> -> memref<1x128xi32, #tpu.memory_space<vmem>>
          %dma_start3A_172 = tpu.memref_squeeze %dma_start3A_171 : memref<1x128xi32, #tpu.memory_space<vmem>> -> memref<128xi32, #tpu.memory_space<vmem>>
          %dma_start3A_173 = arith.constant 0 : i32
          %dma_start3A_174 = arith.constant 0 : i32
          %dma_start3A_175 = tpu.memref_slice %arg12[%dma_start3A_173, %dma_start3A_174] : memref<10112x128xf32, #tpu.memory_space<vmem_shared>> -> memref<10112x128xf32, #tpu.memory_space<vmem_shared>>
          tpu.enqueue_indirect_dma source(%arg7 : memref<128x128xf32, #tpu.memory_space<vmem>>) target(%dma_start3A_175 : memref<10112x128xf32, #tpu.memory_space<vmem_shared>>) offsets(%dma_start3A_172 : memref<128xi32, #tpu.memory_space<vmem>>) semaphore(%run_scoped3A_169 : memref<!tpu.dma_semaphore, #tpu.memory_space<semaphore_mem>>) {add = true}
          %dma_wait3A_176 = arith.constant 0 : i32
          %dma_wait3A_177 = tpu.memref_slice %arg10[%run_scoped3A, %dma_wait3A_176] : memref<2x128xi32, #tpu.memory_space<vmem>> -> memref<1x128xi32, #tpu.memory_space<vmem>>
          %dma_wait3A_178 = tpu.memref_squeeze %dma_wait3A_177 : memref<1x128xi32, #tpu.memory_space<vmem>> -> memref<128xi32, #tpu.memory_space<vmem>>
          %dma_wait3A_179 = arith.constant 0 : i32
          %dma_wait3A_180 = arith.constant 0 : i32
          %dma_wait3A_181 = tpu.memref_slice %arg12[%dma_wait3A_179, %dma_wait3A_180] : memref<10112x128xf32, #tpu.memory_space<vmem_shared>> -> memref<10112x128xf32, #tpu.memory_space<vmem_shared>>
          tpu.wait_indirect_dma semaphore(%run_scoped3A_169 : memref<!tpu.dma_semaphore, #tpu.memory_space<semaphore_mem>>) src(%arg7 : memref<128x128xf32, #tpu.memory_space<vmem>>) dst(%dma_wait3A_181 : memref<10112x128xf32, #tpu.memory_space<vmem_shared>>)
          tpu.yield
        }) : () -> ()
      } else {
      }
      %add3A_131 = arith.constant 3 : i32
      %add3A_132 = arith.addi %add3A_126, %add3A_131 : i32
      %lt3A_133 = arith.cmpi slt, %add3A_132, %select_n3A_36 : i32
      %convert_element_type3A_134 = arith.extui %lt3A_133 : i1 to i32
      %cond3A_135 = arith.constant 0 : i32
      %cond3A_136 = arith.cmpi ne, %convert_element_type3A_134, %cond3A_135 : i32
      scf.if %cond3A_136 {
        %add3A_163 = arith.addi %select_n3A_33, %add3A_126 : i32
        %add3A_164 = arith.constant 3 : i32
        %add3A_165 = arith.addi %add3A_163, %add3A_164 : i32
        %mul3A_166 = arith.constant 128 : i32
        %mul3A_167 = arith.muli %add3A_165, %mul3A_166 : i32
        %dma_start3A_168 = arith.constant 0 : i32
        %dma_start3A_169 = tpu.memref_slice %arg3[%dma_start3A_168, %mul3A_167] : memref<2x320000xi32, #tpu.memory_space<hbm>> -> memref<2x128xi32, #tpu.memory_space<hbm>>
        %dma_start3A_170 = arith.constant 0 : i32
        %dma_start3A_171 = tpu.memref_slice %arg3[%dma_start3A_170, %mul3A_167] : memref<2x320000xi32, #tpu.memory_space<hbm>> -> memref<2x128xi32, #tpu.memory_space<hbm>>
        tpu.enqueue_dma source(%dma_start3A_171 : memref<2x128xi32, #tpu.memory_space<hbm>>) target(%arg10 : memref<2x128xi32, #tpu.memory_space<vmem>>) target_semaphore(%arg17 : memref<!tpu.dma_semaphore, #tpu.memory_space<semaphore_mem>>)
      } else {
      }
      %add3A_137 = arith.constant 2 : i32
      %add3A_138 = arith.addi %add3A_126, %add3A_137 : i32
      %lt3A_139 = arith.cmpi slt, %add3A_138, %select_n3A_36 : i32
      %convert_element_type3A_140 = arith.extui %lt3A_139 : i1 to i32
      %cond3A_141 = arith.constant 0 : i32
      %cond3A_142 = arith.cmpi ne, %convert_element_type3A_140, %cond3A_141 : i32
      scf.if %cond3A_142 {
        %dma_wait3A_163 = arith.constant 0 : i32
        %dma_wait3A_164 = arith.constant 0 : i32
        %dma_wait3A_165 = tpu.memref_slice %arg3[%dma_wait3A_163, %dma_wait3A_164] : memref<2x320000xi32, #tpu.memory_space<hbm>> -> memref<2x128xi32, #tpu.memory_space<hbm>>
        %dma_wait3A_166 = arith.constant 0 : i32
        %dma_wait3A_167 = arith.constant 0 : i32
        %dma_wait3A_168 = tpu.memref_slice %arg3[%dma_wait3A_166, %dma_wait3A_167] : memref<2x320000xi32, #tpu.memory_space<hbm>> -> memref<2x128xi32, #tpu.memory_space<hbm>>
        tpu.wait_dma2 semaphore(%arg16 : memref<!tpu.dma_semaphore, #tpu.memory_space<semaphore_mem>>) src(%dma_wait3A_168 : memref<2x128xi32, #tpu.memory_space<hbm>>) dst(%arg9 : memref<2x128xi32, #tpu.memory_space<vmem>>)
        %dma_start3A_169 = arith.constant 0 : i32
        %dma_start3A_170 = arith.constant 0 : i32
        %dma_start3A_171 = tpu.memref_slice %arg9[%dma_start3A_169, %dma_start3A_170] : memref<2x128xi32, #tpu.memory_space<vmem>> -> memref<1x128xi32, #tpu.memory_space<vmem>>
        %dma_start3A_172 = tpu.memref_squeeze %dma_start3A_171 : memref<1x128xi32, #tpu.memory_space<vmem>> -> memref<128xi32, #tpu.memory_space<vmem>>
        %dma_start3A_173 = arith.constant 0 : i32
        %dma_start3A_174 = arith.constant 0 : i32
        %dma_start3A_175 = tpu.memref_slice %arg2[%dma_start3A_173, %dma_start3A_174] : memref<10000x128xf32, #tpu.memory_space<hbm>> -> memref<10000x128xf32, #tpu.memory_space<hbm>>
        tpu.enqueue_indirect_dma source(%dma_start3A_175 : memref<10000x128xf32, #tpu.memory_space<hbm>>) target(%arg6 : memref<128x128xf32, #tpu.memory_space<vmem>>) offsets(%dma_start3A_172 : memref<128xi32, #tpu.memory_space<vmem>>) semaphore(%arg13 : memref<!tpu.dma_semaphore, #tpu.memory_space<semaphore_mem>>)
      } else {
      }
      %mul3A_143 = arith.constant 3 : i32
      %mul3A_144 = arith.muli %mul3A_143, %while3A_104 : i32
      %add3A_145 = arith.constant 2 : i32
      %add3A_146 = arith.addi %mul3A_144, %add3A_145 : i32
      %lt3A_147 = arith.cmpi slt, %add3A_146, %select_n3A_36 : i32
      %convert_element_type3A_148 = arith.extui %lt3A_147 : i1 to i32
      %cond3A_149 = arith.constant 0 : i32
      %cond3A_150 = arith.cmpi ne, %convert_element_type3A_148, %cond3A_149 : i32
      scf.if %cond3A_150 {
        %dma_wait3A_163 = arith.constant 0 : i32
        %dma_wait3A_164 = arith.constant 0 : i32
        %dma_wait3A_165 = tpu.memref_slice %arg2[%dma_wait3A_163, %dma_wait3A_164] : memref<10000x128xf32, #tpu.memory_space<hbm>> -> memref<128x128xf32, #tpu.memory_space<hbm>>
        %dma_wait3A_166 = arith.constant 0 : i32
        %dma_wait3A_167 = arith.constant 0 : i32
        %dma_wait3A_168 = tpu.memref_slice %arg2[%dma_wait3A_166, %dma_wait3A_167] : memref<10000x128xf32, #tpu.memory_space<hbm>> -> memref<128x128xf32, #tpu.memory_space<hbm>>
        tpu.wait_dma2 semaphore(%arg15 : memref<!tpu.dma_semaphore, #tpu.memory_space<semaphore_mem>>) src(%dma_wait3A_168 : memref<128x128xf32, #tpu.memory_space<hbm>>) dst(%arg8 : memref<128x128xf32, #tpu.memory_space<vmem>>)
        %run_scoped3A = arith.constant 1 : i32
        "tpu.region"() ({
          %run_scoped3A_169 = tpu.sem_alloc : memref<!tpu.dma_semaphore, #tpu.memory_space<semaphore_mem>>
          %dma_start3A_170 = arith.constant 0 : i32
          %dma_start3A_171 = tpu.memref_slice %arg11[%run_scoped3A, %dma_start3A_170] : memref<2x128xi32, #tpu.memory_space<vmem>> -> memref<1x128xi32, #tpu.memory_space<vmem>>
          %dma_start3A_172 = tpu.memref_squeeze %dma_start3A_171 : memref<1x128xi32, #tpu.memory_space<vmem>> -> memref<128xi32, #tpu.memory_space<vmem>>
          %dma_start3A_173 = arith.constant 0 : i32
          %dma_start3A_174 = arith.constant 0 : i32
          %dma_start3A_175 = tpu.memref_slice %arg12[%dma_start3A_173, %dma_start3A_174] : memref<10112x128xf32, #tpu.memory_space<vmem_shared>> -> memref<10112x128xf32, #tpu.memory_space<vmem_shared>>
          tpu.enqueue_indirect_dma source(%arg8 : memref<128x128xf32, #tpu.memory_space<vmem>>) target(%dma_start3A_175 : memref<10112x128xf32, #tpu.memory_space<vmem_shared>>) offsets(%dma_start3A_172 : memref<128xi32, #tpu.memory_space<vmem>>) semaphore(%run_scoped3A_169 : memref<!tpu.dma_semaphore, #tpu.memory_space<semaphore_mem>>) {add = true}
          %dma_wait3A_176 = arith.constant 0 : i32
          %dma_wait3A_177 = tpu.memref_slice %arg11[%run_scoped3A, %dma_wait3A_176] : memref<2x128xi32, #tpu.memory_space<vmem>> -> memref<1x128xi32, #tpu.memory_space<vmem>>
          %dma_wait3A_178 = tpu.memref_squeeze %dma_wait3A_177 : memref<1x128xi32, #tpu.memory_space<vmem>> -> memref<128xi32, #tpu.memory_space<vmem>>
          %dma_wait3A_179 = arith.constant 0 : i32
          %dma_wait3A_180 = arith.constant 0 : i32
          %dma_wait3A_181 = tpu.memref_slice %arg12[%dma_wait3A_179, %dma_wait3A_180] : memref<10112x128xf32, #tpu.memory_space<vmem_shared>> -> memref<10112x128xf32, #tpu.memory_space<vmem_shared>>
          tpu.wait_indirect_dma semaphore(%run_scoped3A_169 : memref<!tpu.dma_semaphore, #tpu.memory_space<semaphore_mem>>) src(%arg8 : memref<128x128xf32, #tpu.memory_space<vmem>>) dst(%dma_wait3A_181 : memref<10112x128xf32, #tpu.memory_space<vmem_shared>>)
          tpu.yield
        }) : () -> ()
      } else {
      }
      %add3A_151 = arith.constant 3 : i32
      %add3A_152 = arith.addi %add3A_146, %add3A_151 : i32
      %lt3A_153 = arith.cmpi slt, %add3A_152, %select_n3A_36 : i32
      %convert_element_type3A_154 = arith.extui %lt3A_153 : i1 to i32
      %cond3A_155 = arith.constant 0 : i32
      %cond3A_156 = arith.cmpi ne, %convert_element_type3A_154, %cond3A_155 : i32
      scf.if %cond3A_156 {
        %add3A_163 = arith.addi %select_n3A_33, %add3A_146 : i32
        %add3A_164 = arith.constant 3 : i32
        %add3A_165 = arith.addi %add3A_163, %add3A_164 : i32
        %mul3A_166 = arith.constant 128 : i32
        %mul3A_167 = arith.muli %add3A_165, %mul3A_166 : i32
        %dma_start3A_168 = arith.constant 0 : i32
        %dma_start3A_169 = tpu.memref_slice %arg3[%dma_start3A_168, %mul3A_167] : memref<2x320000xi32, #tpu.memory_space<hbm>> -> memref<2x128xi32, #tpu.memory_space<hbm>>
        %dma_start3A_170 = arith.constant 0 : i32
        %dma_start3A_171 = tpu.memref_slice %arg3[%dma_start3A_170, %mul3A_167] : memref<2x320000xi32, #tpu.memory_space<hbm>> -> memref<2x128xi32, #tpu.memory_space<hbm>>
        tpu.enqueue_dma source(%dma_start3A_171 : memref<2x128xi32, #tpu.memory_space<hbm>>) target(%arg11 : memref<2x128xi32, #tpu.memory_space<vmem>>) target_semaphore(%arg18 : memref<!tpu.dma_semaphore, #tpu.memory_space<semaphore_mem>>)
      } else {
      }
      %add3A_157 = arith.constant 2 : i32
      %add3A_158 = arith.addi %add3A_146, %add3A_157 : i32
      %lt3A_159 = arith.cmpi slt, %add3A_158, %select_n3A_36 : i32
      %convert_element_type3A_160 = arith.extui %lt3A_159 : i1 to i32
      %cond3A_161 = arith.constant 0 : i32
      %cond3A_162 = arith.cmpi ne, %convert_element_type3A_160, %cond3A_161 : i32
      scf.if %cond3A_162 {
        %dma_wait3A_163 = arith.constant 0 : i32
        %dma_wait3A_164 = arith.constant 0 : i32
        %dma_wait3A_165 = tpu.memref_slice %arg3[%dma_wait3A_163, %dma_wait3A_164] : memref<2x320000xi32, #tpu.memory_space<hbm>> -> memref<2x128xi32, #tpu.memory_space<hbm>>
        %dma_wait3A_166 = arith.constant 0 : i32
        %dma_wait3A_167 = arith.constant 0 : i32
        %dma_wait3A_168 = tpu.memref_slice %arg3[%dma_wait3A_166, %dma_wait3A_167] : memref<2x320000xi32, #tpu.memory_space<hbm>> -> memref<2x128xi32, #tpu.memory_space<hbm>>
        tpu.wait_dma2 semaphore(%arg17 : memref<!tpu.dma_semaphore, #tpu.memory_space<semaphore_mem>>) src(%dma_wait3A_168 : memref<2x128xi32, #tpu.memory_space<hbm>>) dst(%arg10 : memref<2x128xi32, #tpu.memory_space<vmem>>)
        %dma_start3A_169 = arith.constant 0 : i32
        %dma_start3A_170 = arith.constant 0 : i32
        %dma_start3A_171 = tpu.memref_slice %arg10[%dma_start3A_169, %dma_start3A_170] : memref<2x128xi32, #tpu.memory_space<vmem>> -> memref<1x128xi32, #tpu.memory_space<vmem>>
        %dma_start3A_172 = tpu.memref_squeeze %dma_start3A_171 : memref<1x128xi32, #tpu.memory_space<vmem>> -> memref<128xi32, #tpu.memory_space<vmem>>
        %dma_start3A_173 = arith.constant 0 : i32
        %dma_start3A_174 = arith.constant 0 : i32
        %dma_start3A_175 = tpu.memref_slice %arg2[%dma_start3A_173, %dma_start3A_174] : memref<10000x128xf32, #tpu.memory_space<hbm>> -> memref<10000x128xf32, #tpu.memory_space<hbm>>
        tpu.enqueue_indirect_dma source(%dma_start3A_175 : memref<10000x128xf32, #tpu.memory_space<hbm>>) target(%arg7 : memref<128x128xf32, #tpu.memory_space<vmem>>) offsets(%dma_start3A_172 : memref<128xi32, #tpu.memory_space<vmem>>) semaphore(%arg14 : memref<!tpu.dma_semaphore, #tpu.memory_space<semaphore_mem>>)
      } else {
      }
    }
    %barrier3A_102 = arith.constant 0 : index
    tpu.barrier barrier_id(%barrier3A_102)
    %barrier3A_103 = arith.constant 0 : index
    tpu.barrier barrier_id(%barrier3A_103)
    "tpu.region"() ({
      %run_scoped3A = tpu.sem_alloc : memref<!tpu.dma_semaphore, #tpu.memory_space<semaphore_mem>>
      %dma_start3A_104 = arith.constant 0 : i32
      %dma_start3A_105 = tpu.memref_slice %arg5[%arg0, %mul3A_0, %dma_start3A_104] : memref<2x10112x128xf32, #tpu.memory_space<hbm>> -> memref<1x632x128xf32, #tpu.memory_space<hbm>>
      %dma_start3A_106 = tpu.memref_squeeze %dma_start3A_105 : memref<1x632x128xf32, #tpu.memory_space<hbm>> -> memref<632x128xf32, #tpu.memory_space<hbm>>
      %dma_start3A_107 = arith.constant 0 : i32
      %dma_start3A_108 = tpu.memref_slice %arg12[%mul3A_0, %dma_start3A_107] : memref<10112x128xf32, #tpu.memory_space<vmem_shared>> -> memref<632x128xf32, #tpu.memory_space<vmem_shared>>
      tpu.enqueue_dma source(%dma_start3A_108 : memref<632x128xf32, #tpu.memory_space<vmem_shared>>) target(%dma_start3A_106 : memref<632x128xf32, #tpu.memory_space<hbm>>) target_semaphore(%run_scoped3A : memref<!tpu.dma_semaphore, #tpu.memory_space<semaphore_mem>>)
      %dma_wait3A_109 = arith.constant 0 : i32
      %dma_wait3A_110 = tpu.memref_slice %arg5[%arg0, %mul3A_0, %dma_wait3A_109] : memref<2x10112x128xf32, #tpu.memory_space<hbm>> -> memref<1x632x128xf32, #tpu.memory_space<hbm>>
      %dma_wait3A_111 = tpu.memref_squeeze %dma_wait3A_110 : memref<1x632x128xf32, #tpu.memory_space<hbm>> -> memref<632x128xf32, #tpu.memory_space<hbm>>
      %dma_wait3A_112 = arith.constant 0 : i32
      %dma_wait3A_113 = tpu.memref_slice %arg12[%mul3A_0, %dma_wait3A_112] : memref<10112x128xf32, #tpu.memory_space<vmem_shared>> -> memref<632x128xf32, #tpu.memory_space<vmem_shared>>
      tpu.wait_dma2 semaphore(%run_scoped3A : memref<!tpu.dma_semaphore, #tpu.memory_space<semaphore_mem>>) src(%dma_wait3A_113 : memref<632x128xf32, #tpu.memory_space<vmem_shared>>) dst(%dma_wait3A_111 : memref<632x128xf32, #tpu.memory_space<hbm>>)
      tpu.yield
    }) : () -> ()
    return
  }
}

module attributes {stable_mosaic.version = 14 : i64} {
  func.func @_dense_l_body(%arg0: i32, %arg1: memref<1x1000x128xf32, #tpu.memory_space<vmem>>, %arg2: memref<1x1000x128xf32, #tpu.memory_space<vmem>>, %arg3: memref<1000x128xf32, #tpu.memory_space<vmem>>, %arg4: memref<128x128xf32, #tpu.memory_space<vmem>>, %arg5: memref<1000x128xf32, #tpu.memory_space<vmem>>) attributes {dimension_semantics = [#tpu.dimension_semantics<arbitrary>], iteration_bounds = array<i64: 10>, scalar_prefetch = 0 : i64, scratch_operands = 0 : i64, tpu.core_type = #tpu.core_type<tc>, window_params = [{transform_indices = @transform_0, window_bounds = array<i64: 1, 1000, 128>}, {transform_indices = @transform_1, window_bounds = array<i64: 1, 1000, 128>}, {transform_indices = @transform_2, window_bounds = array<i64: 1000, 128>}, {pipeline_mode = #tpu.pipeline_mode<synchronous>, transform_indices = @transform_3, window_bounds = array<i64: 128, 128>}, {transform_indices = @transform_4, window_bounds = array<i64: 1000, 128>}]} {
    %get3A = arith.constant 0 : index
    %get3A_0 = arith.constant 0 : index
    %get3A_1 = arith.constant 0 : index
    %get3A_2 = vector.load %arg1[%get3A, %get3A_0, %get3A_1] : memref<1x1000x128xf32, #tpu.memory_space<vmem>>, vector<1x1000x128xf32>
    %get3A_3 = vector.shape_cast %get3A_2 : vector<1x1000x128xf32> to vector<1000x128xf32>
    %get3A_4 = arith.constant 0 : index
    %get3A_5 = arith.constant 0 : index
    %get3A_6 = arith.constant 0 : index
    %get3A_7 = vector.load %arg2[%get3A_4, %get3A_5, %get3A_6] : memref<1x1000x128xf32, #tpu.memory_space<vmem>>, vector<1x1000x128xf32>
    %get3A_8 = vector.shape_cast %get3A_7 : vector<1x1000x128xf32> to vector<1000x128xf32>
    %add3A = arith.addf %get3A_3, %get3A_8 : vector<1000x128xf32>
    %get3A_9 = arith.constant 0 : index
    %get3A_10 = arith.constant 0 : index
    %get3A_11 = vector.load %arg4[%get3A_9, %get3A_10] : memref<128x128xf32, #tpu.memory_space<vmem>>, vector<128x128xf32>
    %dot_general3A = arith.constant dense<0.000000e+00> : vector<1000x128xf32>
    %dot_general3A_12 = tpu.matmul %add3A, %get3A_11, %dot_general3A {dimension_numbers = #tpu.dot_dimension_numbers<[1], [1], [0], [0], [0, 0, 1, 0], [], []>, transpose_lhs_hint = false} : vector<1000x128xf32>, vector<128x128xf32>, vector<1000x128xf32> -> vector<1000x128xf32>
    %get3A_13 = arith.constant 0 : index
    %get3A_14 = arith.constant 0 : index
    %get3A_15 = vector.load %arg3[%get3A_13, %get3A_14] : memref<1000x128xf32, #tpu.memory_space<vmem>>, vector<1000x128xf32>
    %add3A_16 = arith.addf %dot_general3A_12, %get3A_15 : vector<1000x128xf32>
    %swap3A = arith.constant 0 : index
    %swap3A_17 = arith.constant 0 : index
    %swap3A_18 = vector.load %arg5[%swap3A, %swap3A_17] : memref<1000x128xf32, #tpu.memory_space<vmem>>, vector<1000x128xf32>
    tpu.vector_store %arg5[%swap3A, %swap3A_17], %add3A_16 {strides = array<i32>} : memref<1000x128xf32, #tpu.memory_space<vmem>>, vector<1000x128xf32>,
    return
  }
  func.func @transform_0(%arg0: i32) -> (i32, i32, i32) {
    %c0_i32 = arith.constant 0 : i32
    %c0_i32_0 = arith.constant 0 : i32
    %c0_i32_1 = arith.constant 0 : i32
    return %c0_i32, %arg0, %c0_i32_0 : i32, i32, i32
  }
  func.func @transform_1(%arg0: i32) -> (i32, i32, i32) {
    %c1_i32 = arith.constant 1 : i32
    %c0_i32 = arith.constant 0 : i32
    %c0_i32_0 = arith.constant 0 : i32
    return %c1_i32, %arg0, %c0_i32 : i32, i32, i32
  }
  func.func @transform_2(%arg0: i32) -> (i32, i32) {
    %c0_i32 = arith.constant 0 : i32
    %c0_i32_0 = arith.constant 0 : i32
    return %arg0, %c0_i32 : i32, i32
  }
  func.func @transform_3(%arg0: i32) -> (i32, i32) {
    %c0_i32 = arith.constant 0 : i32
    %c0_i32_0 = arith.constant 0 : i32
    %c0_i32_1 = arith.constant 0 : i32
    return %c0_i32, %c0_i32_0 : i32, i32
  }
  func.func @transform_4(%arg0: i32) -> (i32, i32) {
    %c0_i32 = arith.constant 0 : i32
    %c0_i32_0 = arith.constant 0 : i32
    return %arg0, %c0_i32 : i32, i32
  }
}

module attributes {stable_mosaic.version = 14 : i64} {
  func.func @_dense_r_body(%arg0: i32, %arg1: memref<1000x128xf32, #tpu.memory_space<vmem>>, %arg2: memref<128x128xf32, #tpu.memory_space<vmem>>, %arg3: memref<1x128xf32, #tpu.memory_space<vmem>>, %arg4: memref<1000x128xf32, #tpu.memory_space<vmem>>) attributes {dimension_semantics = [#tpu.dimension_semantics<arbitrary>], iteration_bounds = array<i64: 10>, scalar_prefetch = 0 : i64, scratch_operands = 0 : i64, tpu.core_type = #tpu.core_type<tc>, window_params = [{transform_indices = @transform_0, window_bounds = array<i64: 1000, 128>}, {pipeline_mode = #tpu.pipeline_mode<synchronous>, transform_indices = @transform_1, window_bounds = array<i64: 128, 128>}, {pipeline_mode = #tpu.pipeline_mode<synchronous>, transform_indices = @transform_2, window_bounds = array<i64: 1, 128>}, {transform_indices = @transform_3, window_bounds = array<i64: 1000, 128>}]} {
    %get3A = arith.constant 0 : index
    %get3A_0 = arith.constant 0 : index
    %get3A_1 = vector.load %arg1[%get3A, %get3A_0] : memref<1000x128xf32, #tpu.memory_space<vmem>>, vector<1000x128xf32>
    %get3A_2 = arith.constant 0 : index
    %get3A_3 = arith.constant 0 : index
    %get3A_4 = vector.load %arg2[%get3A_2, %get3A_3] : memref<128x128xf32, #tpu.memory_space<vmem>>, vector<128x128xf32>
    %dot_general3A = arith.constant dense<0.000000e+00> : vector<1000x128xf32>
    %dot_general3A_5 = tpu.matmul %get3A_1, %get3A_4, %dot_general3A {dimension_numbers = #tpu.dot_dimension_numbers<[1], [1], [0], [0], [0, 0, 1, 0], [], []>, transpose_lhs_hint = false} : vector<1000x128xf32>, vector<128x128xf32>, vector<1000x128xf32> -> vector<1000x128xf32>
    %get3A_6 = arith.constant 0 : index
    %get3A_7 = arith.constant 0 : index
    %get3A_8 = vector.load %arg3[%get3A_6, %get3A_7] : memref<1x128xf32, #tpu.memory_space<vmem>>, vector<1x128xf32>
    %add3A = vector.broadcast %get3A_8 : vector<1x128xf32> to vector<1000x128xf32>
    %add3A_9 = arith.addf %dot_general3A_5, %add3A : vector<1000x128xf32>
    %swap3A = arith.constant 0 : index
    %swap3A_10 = arith.constant 0 : index
    %swap3A_11 = vector.load %arg4[%swap3A, %swap3A_10] : memref<1000x128xf32, #tpu.memory_space<vmem>>, vector<1000x128xf32>
    tpu.vector_store %arg4[%swap3A, %swap3A_10], %add3A_9 {strides = array<i32>} : memref<1000x128xf32, #tpu.memory_space<vmem>>, vector<1000x128xf32>,
    return
  }
  func.func @transform_0(%arg0: i32) -> (i32, i32) {
    %c0_i32 = arith.constant 0 : i32
    %c0_i32_0 = arith.constant 0 : i32
    return %arg0, %c0_i32 : i32, i32
  }
  func.func @transform_1(%arg0: i32) -> (i32, i32) {
    %c0_i32 = arith.constant 0 : i32
    %c0_i32_0 = arith.constant 0 : i32
    %c0_i32_1 = arith.constant 0 : i32
    return %c0_i32, %c0_i32_0 : i32, i32
  }
  func.func @transform_2(%arg0: i32) -> (i32, i32) {
    %c0_i32 = arith.constant 0 : i32
    %c0_i32_0 = arith.constant 0 : i32
    %c0_i32_1 = arith.constant 0 : i32
    return %c0_i32, %c0_i32_0 : i32, i32
  }
  func.func @transform_3(%arg0: i32) -> (i32, i32) {
    %c0_i32 = arith.constant 0 : i32
    %c0_i32_0 = arith.constant 0 : i32
    return %arg0, %c0_i32 : i32, i32
  }
}

</mosaic_0001>

<sc_bundles>
// kernel: kernel.5.cloned.1.call-start
scs
__scs_entry_jumppad:
0x0: {  	(pc) =	sbr.rel $0x88, $3  }
0x1: {  	(tag) =	ssettag $0x0;
	lr =	simm.s32 $0x1  }
0x2: {  	[smem:$0x3F9C] =	sst lr;
	_ =	strace $0xD0000000  }
0x3: {  	_ = 	snop  }
0x4: {  	_ = 	snop  }
0x5: {  	_ = 	snop  }
0x6: {  	_ = 	snop  }
0x7: {  	_ = 	snop  }
__scs_overlays_trampoline_lowered:
0x8: {  	[smem:$0x3FAB] =	sst s0  }
0x9: {  	[smem:$0x3FAC] =	sst s1  }
0xa: {  	[smem:$0x3FAD] =	sst s2  }
0xb: {  	[smem:$0x3FAE] =	sst s3  }
0xc: {  	[smem:$0x3FAF] =	sst s4  }
0xd: {  	[smem:$0x3FB0] =	sst s5  }
0xe: {  	[smem:$0x3FB1] =	sst s6  }
0xf: {  	[smem:$0x3FB2] =	sst s7  }
0x10: {  	[smem:$0x3FB3] =	sst s8  }
0x11: {  	[smem:$0x3FB4] =	sst s9;
	s0 =	simm.s32 @!p0 $0x0  }
0x12: {  	s1 =	sld [smem:$0x3F9A];
	s0 =	simm.s32 @p0 $0x1  }
0x13: {  	[smem:$0x3FB5] =	sst s0;
	s0 =	simm.s32 @!p1 $0x0  }
0x14: {  	s2 =	sld [smem:$0x3F99];
	s0 =	simm.s32 @p1 $0x1  }
0x15: {  	[smem:$0x3FB6] =	sst s0;
	s0 =	simm.s32 @!p2 $0x0  }
0x16: {  	s3 =	sld [smem:$0x3FDB];
	s0 =	simm.s32 @p2 $0x1  }
0x17: {  	s4 =	simm.s32 $0x1BF5;
	[smem:$0x3FB8] =	sst s0  }
0x18: {  	s0 =	sld [smem:$0x3F9B];
	_ =	swait.ge [sflag:s4], $0x0  }
0x19: {  	s7 =	sld [smem:$0x3F9C]  }
0x1a: {  	s8 =	sadd.s32 $0xFFFFE003, lr  }
0x1b: {  	s9 =	sadd.s32 $0xFFFFFEF7, lr;
	s5 =	simm.s32 $0xFFFFFFFF;
	p2 =	slt.u32 s8, $0xFFFFF086  }
0x1c: {  	p1 =	slt.u32 s9, $0xF7A;
	s5 =	simm.s32 @!p2 $0x0  }
0x1d: {  	s5 =	simm.s32 @p1 $0x1;
	p0 =	seq.s32 s7, s2  }
0x1e: {  	s7 =	smul.u32 @!p0 $0xF7A, s2;
	p2 =	seq.s32 @!p0 s5, $0x0  }
0x1f: {  	s9 =	smul.u32 $0xF7A, s1;
	s8 =	simm.s32 @!p0 $0x1BF5;
	p2 =	por !p2, p0  }
0x20: {  	[sflag:s8] =	ssyncset.s32 @!p0 $0xFFFFF086;
	s6 =	sadd.s32 @!p0 s3, s7;
	s7 =	simm.s32 @!p0 $0x108  }
0x21: {  	s3 =	sadd.s32 s3, s9;
	s6 =	sadd.s32 @!p0 $0x88, s6;
	s7 =	simm.s32 @p2 $0x1082  }
0x22: {  	[simem:s7], [sflag:s8] =	dma.local @!p0 [hbm:s6], $0xF7A  }
0x23: {  	s9 =	sor.u32 $0xD0000000, s2;
	s6 =	simm.s32 $0x108;
	_ =	swait.ge @!p0 [sflag:s8], $0x0  }
0x24: {  	s3 =	sadd.s32 $0x88, s3;
	s6 =	simm.s32 @!p1 $0x1082;
	[sflag:s4] =	ssyncset.s32 $0xFFFFF086  }
0x25: {  	[simem:s6], [sflag:s4] =	dma.local [hbm:s3], $0xF7A  }
0x26: {  	[smem:$0x3F9C] =	sst s1;
	(tag) =	ssettag s2;
	_ =	strace s9  }
0x27: {  	s1 =	sld [smem:$0x3FAC]  }
0x28: {  	s2 =	sld [smem:$0x3FAD]  }
0x29: {  	s4 =	sld [smem:$0x3FAF]  }
0x2a: {  	p0 =	seq.s32 s5, $0x0;
	s5 =	sld [smem:$0x3FB0]  }
0x2b: {  	s6 =	sld [smem:$0x3FB1]  }
0x2c: {  	s7 =	sld [smem:$0x3FB2]  }
0x2d: {  	s3 =	simm.s32 $0x108;
	s8 =	sld [smem:$0x3FB3]  }
0x2e: {  	s3 =	simm.s32 @!p0 $0x1082;
	s9 =	sld [smem:$0x3FB4]  }
0x2f: {  	lr =	sadd.s32 s0, s3;
	s0 =	sld [smem:$0x3FAB]  }
0x30: {  	s3 =	sld [smem:$0x3FAE]  }
0x31: {  	[smem:$0x3FB7] =	sst s10  }
0x32: {  	s10 =	sld [smem:$0x3FB5];
	_ =	sdelay $0x3  }
0x33: {  	p0 =	seq.s32 s10, $0x1;
	s10 =	sld [smem:$0x3FB7];
	_ =	sdelay $0x3  }
0x34: {  	[smem:$0x3FB7] =	sst s10  }
0x35: {  	s10 =	sld [smem:$0x3FB6];
	_ =	sdelay $0x3  }
0x36: {  	p1 =	seq.s32 s10, $0x1;
	s10 =	sld [smem:$0x3FB7];
	_ =	sdelay $0x3  }
0x37: {  	[smem:$0x3FB7] =	sst s10  }
0x38: {  	s10 =	sld [smem:$0x3FB8]  }
0x39: {  	_ = 	snop;
	(pc) =	sbr.ind lr, $3  }
0x3a: {  	_ = 	snop  }
0x3b: {  	_ = 	snop  }
0x3c: {  	p2 =	seq.s32 s10, $0x1;
	s10 =	sld [smem:$0x3FB7]  }
0x3d: {  	_ =	shalt  }
0x3e: {  	_ =	shalt  }
0x3f: {  	_ =	shalt  }
0x40: {  	_ =	shalt  }
0x41: {  	_ =	shalt  }
0x42: {  	_ =	shalt  }
0x43: {  	_ =	shalt  }
0x44: {  	_ =	shalt  }
0x45: {  	_ =	shalt  }
0x46: {  	_ =	shalt  }
0x47: {  	_ =	shalt  }
0x48: {  	_ =	shalt  }
0x49: {  	_ =	shalt  }
0x4a: {  	_ =	shalt  }
0x4b: {  	_ =	shalt  }
0x4c: {  	_ =	shalt  }
0x4d: {  	_ =	shalt  }
0x4e: {  	_ =	shalt  }
0x4f: {  	_ =	shalt  }
0x50: {  	_ =	shalt  }
0x51: {  	_ =	shalt  }
0x52: {  	_ =	shalt  }
0x53: {  	_ =	shalt  }
0x54: {  	_ =	shalt  }
0x55: {  	_ =	shalt  }
0x56: {  	_ =	shalt  }
0x57: {  	_ =	shalt  }
0x58: {  	_ =	shalt  }
0x59: {  	_ =	shalt  }
0x5a: {  	_ =	shalt  }
0x5b: {  	_ =	shalt  }
0x5c: {  	_ =	shalt  }
0x5d: {  	_ =	shalt  }
0x5e: {  	_ =	shalt  }
0x5f: {  	_ =	shalt  }
0x60: {  	_ =	shalt  }
0x61: {  	_ =	shalt  }
0x62: {  	_ =	shalt  }
0x63: {  	_ =	shalt  }
0x64: {  	_ =	shalt  }
0x65: {  	_ =	shalt  }
0x66: {  	_ =	shalt  }
0x67: {  	_ =	shalt  }
0x68: {  	_ =	shalt  }
0x69: {  	_ =	shalt  }
0x6a: {  	_ =	shalt  }
0x6b: {  	_ =	shalt  }
0x6c: {  	_ =	shalt  }
0x6d: {  	_ =	shalt  }
0x6e: {  	_ =	shalt  }
0x6f: {  	_ =	shalt  }
0x70: {  	_ =	shalt  }
0x71: {  	_ =	shalt  }
0x72: {  	_ =	shalt  }
0x73: {  	_ =	shalt  }
0x74: {  	_ =	shalt  }
0x75: {  	_ =	shalt  }
0x76: {  	_ =	shalt  }
0x77: {  	_ =	shalt  }
0x78: {  	_ =	shalt  }
0x79: {  	_ =	shalt  }
0x7a: {  	_ =	shalt  }
0x7b: {  	_ =	shalt  }
0x7c: {  	_ =	shalt  }
0x7d: {  	_ =	shalt  }
0x7e: {  	_ =	shalt  }
0x7f: {  	_ =	shalt  }
0x80: {  	_ =	shalt  }
0x81: {  	_ =	shalt  }
0x82: {  	_ =	shalt  }
0x83: {  	_ =	shalt  }
0x84: {  	_ =	shalt  }
0x85: {  	_ =	shalt  }
0x86: {  	_ =	shalt  }
0x87: {  	_ =	shalt  }
.Lfunc_end0:
.L_simem_size_0:
called_computation_lowered:
.L_overlay_start_0:
0x88: {  	s2 =	sld [smem:$0x3FD9]  }
0x89: {  	s3 =	sld [smem:$0x3FFE];
	_ =	sdelay $0x1  }
0x8a: {  	s1 =	srdreg.scid  }
0x8b: {  	s0 =	sand.u32 $0x1, s1  }
0x8c: {  	s17 =	sshll.u32 s0, $0xA;
	s2 =	sadd.s32 s3, s2  }
0x8d: {  	s2 =	sadd.s32 s2, s17  }
0x8e: {  	[smem:$0x3FC3] =	sst s2  }
0x8f: {  	_ = 	snop  }
0x90: {  	s2 =	sld [smem:$0x3FC9]  }
0x91: {  	s18 =	sld [smem:$0x3FC8]  }
0x92: {  	s4 =	sld [smem:$0x3FD0];
	(tm) =	ssettm $0x1  }
0x93: {  	s5 =	sld [smem:$0x3FFB];
	_ =	sdelay $0x3  }
0x94: {  	_ =	strace s5  }
0x95: {  	s5 =	sld [smem:$0x3FFC];
	_ =	sdelay $0x3  }
0x96: {  	_ =	strace s5  }
0x97: {  	s5 =	sld [smem:$0x3FFD];
	_ =	sdelay $0x3  }
0x98: {  	_ =	strace s5  }
0x99: {  	_ =	strace $0x8FFFFFFF  }
0x9a: {  	s19 =	sld [smem:$0x3FDB];
	_ =	sdelay $0x1  }
0x9b: {  	s6 =	simm.s32 $_scs_section_size  }
0x9c: {  	s7 =	simm.s32 $_size__tile_overlayer_lowered;
	s8 =	simm.s32 $_tile_overlayer_lowered  }
0x9d: {  	s22 =	simm.s32 $0x1BFF;
	s21 =	sshll.u32 s8, $0x1;
	s5 =	sadd.s32 s6, s19  }
0x9e: {  	s9 =	simm.s32 $0x0;
	s20 =	sshll.u32 s7, $0x1;
	s7 =	sadd.s32 s21, s5  }
0x9f: {  	[timem:s9], [sflag:s22] =	dma.local [hbm:s7], s20  }
0xa0: {  	_ =	swait.ge [sflag:s22], s20  }
0xa1: {  	s6 =	ssub.s32 $0x0, s20;
	[sflag:s22] =	ssyncset.done $0x0  }
0xa2: {  	[sflag:s22] =	ssyncadd.s32 s6;
	_ =	sdelay $0x1  }
0xa3: {  	s23 =	simm.s32 $0x1B8B  }
0xa4: {  	_ =	swait.ge [sflag:s23], $0x1  }
0xa5: {  	[sflag:s23] =	ssyncset.done $0x0  }
0xa6: {  	s25 =	simm.s32 $0x1B8E;
	s24 =	sld [smem:$0x3FFE];
	[sflag:s23] =	ssyncadd.s32 $0xFFFFFFFF  }
0xa7: {  	s26 =	simm.s32 $execute0_lowered;
	[smem:$0x3FD2] =	sst s25  }
0xa8: {  	s7 =	sshll.u32 s26, $0x1;
	_ =	strace $0x80000046;
	[dreg:$0x1] =	wrdreg $0xFFFFFFFF  }
0xa9: {  	s28 =	simm.s32 $_size_execute0_lowered;
	s5 =	sadd.s32 s5, s7;
	[dreg:$0x0] =	wrdreg $0x0  }
0xaa: {  	s7 =	sshll.u32 s28, $0x1;
	[dreg:$0x2] =	wrdreg s5  }
0xab: {  	[dreg:$0x3] =	wrdreg s7  }
0xac: {  	[dreg:$0x4] =	wrdreg $0xC0  }
0xad: {  	_ =	task [dreg:s9], $0x5FFFF  }
0xae: {  	[dreg:$0x1] =	wrdreg $0xFFFFFFFF  }
0xaf: {  	[dreg:$0x0] =	wrdreg $0x60  }
0xb0: {  	[dreg:$0x2] =	wrdreg s2  }
0xb1: {  	[dreg:$0x3] =	wrdreg s18  }
0xb2: {  	[dreg:$0x4] =	wrdreg s4  }
0xb3: {  	[dreg:$0x5] =	wrdreg s24  }
0xb4: {  	[dreg:$0x6] =	wrdreg $0xC3000  }
0xb5: {  	[dreg:$0x7] =	wrdreg $0x9  }
0xb6: {  	_ =	task.clear_ibuf [dreg:s9], $0x8FFFF;
	_ =	strace $0x90000046  }
0xb7: {  	s29 =	simm.s32 $0x9;
	_ =	strace $0x80000048  }
0xb8: {  	_ =	swait.ge [sflag:s29], $0x1  }
0xb9: {  	[sflag:s29] =	ssyncadd.s32 $0xFFFFFFFF  }
0xba: {  	_ =	strace $0x90000048  }
0xbb: {  	_ =	sfence  }
0xbc: {  	s30 =	sld [smem:$0x0];
	_ =	sdelay $0x2  }
0xbd: {  	s31 =	sshll.u32 s1, $0xD;
	s1 =	sshrl.u32 s1, $0x2  }
0xbe: {  	s3 =	sand.u32 $0x4000, s31;
	s1 =	sadd.s32 s1, s30  }
0xbf: {  	s0 =	sor.u32 s3, s0;
	s1 =	sshll.u32 s1, $0x11  }
0xc0: {  	s0 =	sor.u32 s1, s0  }
0xc1: {  	s0 =	sadd.s32 $0x8F2B, s0  }
0xc2: {  	[sflag:s0] =	ssyncadd.remote.s32 $0x1  }
0xc3: {  	_ =	sfence.sel $0xFFFF  }
0xc4: {  	[dreg:$0x0] =	wrdreg $0xFFFFFFFF;
	(pc) =	sbr.abs _section_cstart, $3  }
0xc5: {  	[dreg:$0x1] =	wrdreg $0xFFFFFFFF  }
0xc6: {  	_ =	task.clear_ibuf [dreg:s9], $0x2FFFF;
	_ =	strace $0x9FFFFFFF  }
0xc7: {  	(tm) =	ssettm $0x7FFFFFFF  }
tec
execute0_lowered:
.L_overlay_start_1:
0x0: {  	(tag) =	ssettag $0x1  }
0x1: {  	s0 =	rddreg [dreg:$0x0]  }
0x2: {  	s12 =	rddreg [dreg:$0x1]  }
0x3: {  	s7 =	rddreg [dreg:$0x3];
	s2 =	srdreg.scid  }
0x4: {  	s4 =	rddreg [dreg:$0x4];
	s1 =	stileid.u32  }
0x5: {  	s5 =	simm.s32 $0x0;
	s19 =	simm.s32 $0xC000;
	s8 =	smul.u32 $0x13C00, s1  }
0x6: {  	s20 =	simm.s32 $0xC100;
	s22 =	simm.s32 $0x80;
	s10 =	smul.u32 $0x4F000, s1  }
0x7: {  	s9 =	sand.u32 $0x1, s2;
	[smem:$0x7FF] =	sst s5;
	s24 =	smul.u32 $0x4F, s1  }
0x8: {  	p0 =	slt.u32 s1, $0x6;
	s25 =	smin.u32 s1, $0x6;
	s14 =	smul.u32 $0x4C, s1  }
0x9: {  	s17 =	smin.u32 s1, $0xE;
	s6 =	smul.u32 $0x13C000, s9;
	s23 =	ssub.s32 $0x2, s9  }
0xa: {  	_ =	strace $0x80000047;
	s10 =	sshrl.u32 s10, $0x2;
	s13 =	sshrl.u32 s23, $0x1  }
0xb: {  	s14 =	sadd.s32 s17, s14;
	s6 =	sadd.s32 s8, s6;
	s16 =	ssub.s32 s23, s13  }
0xc: {  	s8 =	simm.s32 $0x4D;
	s13 =	sadd.s32 $0x4F6, s14;
	s23 =	simm.s32 $0x5  }
0xd: {  	s11 =	sshrl.u32 s6, $0x3;
	s6 =	sadd.s32 s10, s4;
	s10 =	sadd.s32 s25, s24  }
0xe: {  	s16 =	smax.u32 s16, $0x1;
	s15 =	sadd.s32 s11, s7;
	s11 =	simm.s32 $0x50  }
0xf: {  	s24 =	simm.s32 $0x4000;
	s11 =	simm.s32 @!p0 $0x4F;
	p0 =	slt.u32 s1, $0xE  }
0x10: {  	s25 =	simm.s32 $0x0;
	s8 =	simm.s32 @!p0 $0x4C;
	p0 =	seq.s32 s9, $0x0  }
0x11: {  	s7 =	sadd.s32 $0x4000, s6;
	s15 =	sadd.s32 $0xE00, s15;
	s8 =	smov.u32 @p0 s11  }
0x12: {  	s9 =	sadd.s32 $0x8000, s6;
	s13 =	smov.u32 @p0 s10;
	s26 =	smul.u32 $0x56, s8  }
0x13: {  	s10 =	sadd.s32 $0xC000, s6;
	s11 =	sadd.s32 $0x10000, s6;
	s13 =	sshll.u32 s13, $0x5  }
0x14: {  	s29 =	sadd.s32 $0xFFFFFFFD, s8;
	s30 =	sadd.s32 $0xFFFFFFFC, s8;
	s28 =	sadd.s32 $0xAC, s26  }
0x15: {  	s12 =	sadd.s32 s12, s13;
	[dreg:$0x6] =	wrdreg s29;
	s13 =	sshrl.u32 s28, $0x8  }
0x16: {  	s31 =	sadd.s32 $0xFFFFFFFB, s8;
	[dreg:$0x7] =	wrdreg s30;
	s18 =	smul.u32 $0x3, s13  }
0x17: {  	[dreg:$0x8] =	wrdreg s31;
	s14 =	sadd.s32 $0x40, s12;
	s17 =	sadd.s32 $0x60, s12  }
0x18: {  	s13 =	sadd.s32 $0x20, s12;
	[dreg:$0x9] =	wrdreg s18;
	s18 =	simm.s32 $0x7  }
.LBB2_1:
0x19: {  	s1 =	rddreg [dreg:$0x2]  }
0x1a: {  	[tilespmem:s5], [sflag:$0x7] =	stream.linear.gather [hbm4b:s1+s5], $0x4000, $0x38;
	[tilespmem:$0x1FF00] =	vst v63  }
0x1b: {  	_ =	swait.ge [sflag:s18], $0x4000  }
0x1c: {  	[sflag:s18] =	ssyncset.done $0x0  }
0x1d: {  	[sflag:s18] =	ssyncadd.s32 $0xFFFFC000  }
0x1e: {  	[spmem:s6] =	stream.linear.scatter [tilespmem:s5], [sflag:$0x7], $0x4000, $0x38;
	[tilespmem:$0x1FF00] =	vst v63  }
0x1f: {  	_ =	swait.ge [sflag:s18], $0x4000  }
0x20: {  	[sflag:s18] =	ssyncset.done $0x0  }
0x21: {  	[sflag:s18] =	ssyncadd.s32 $0xFFFFC000  }
0x22: {  	[spmem:s7] =	stream.linear.scatter [tilespmem:s5], [sflag:$0x7], $0x4000, $0x38;
	[tilespmem:$0x1FF00] =	vst v63  }
0x23: {  	_ =	swait.ge [sflag:s18], $0x4000  }
0x24: {  	[sflag:s18] =	ssyncset.done $0x0  }
0x25: {  	[sflag:s18] =	ssyncadd.s32 $0xFFFFC000  }
0x26: {  	[spmem:s9] =	stream.linear.scatter [tilespmem:s5], [sflag:$0x7], $0x4000, $0x38;
	[tilespmem:$0x1FF00] =	vst v63  }
0x27: {  	_ =	swait.ge [sflag:s18], $0x4000  }
0x28: {  	[sflag:s18] =	ssyncset.done $0x0  }
0x29: {  	[sflag:s18] =	ssyncadd.s32 $0xFFFFC000  }
0x2a: {  	[spmem:s10] =	stream.linear.scatter [tilespmem:s5], [sflag:$0x7], $0x4000, $0x38;
	[tilespmem:$0x1FF00] =	vst v63  }
0x2b: {  	_ =	swait.ge [sflag:s18], $0x4000  }
0x2c: {  	[sflag:s18] =	ssyncset.done $0x0  }
0x2d: {  	[sflag:s18] =	ssyncadd.s32 $0xFFFFC000  }
0x2e: {  	[spmem:s11] =	stream.linear.scatter [tilespmem:s5], [sflag:$0x7], $0x3C00, $0x38;
	[tilespmem:$0x1FF00] =	vst v63  }
0x2f: {  	_ =	swait.ge [sflag:s18], $0x3C00  }
0x30: {  	[sflag:s18] =	ssyncset.done $0x0  }
0x31: {  	[sflag:s18] =	ssyncadd.s32 $0xFFFFC400  }
0x32: {  	[bflag:$0x0] =	sbarrier.arrive $0xFFFF  }
0x33: {  	[tilespmem:s19], [sflag:$0x7] =	stream.linear.gather [hbm4b:s12+s5], $0x100, $0x38;
	[tilespmem:$0x1FF00] =	vst v63  }
0x34: {  	_ =	swait.ge [sflag:s18], $0x100  }
0x35: {  	[sflag:s18] =	ssyncset.done $0x0  }
0x36: {  	[sflag:s18] =	ssyncadd.s32 $0xFFFFFF00  }
0x37: {  	[tilespmem:s20], [sflag:$0x5] =	stream.linear.gather [hbm4b:s13+s5], $0x100, $0x38;
	[tilespmem:$0x1FF00] =	vst v63  }
0x38: {  	s31 =	simm.s32 $0xC200  }
0x39: {  	[tilespmem:s31], [sflag:$0x6] =	stream.linear.gather [hbm4b:s14+s5], $0x100, $0x38;
	[tilespmem:$0x1FF00] =	vst v63  }
0x3a: {  	_ = 	snop  }
0x3b: {  	[tilespmem:s5], [sflag:$0x1] =	stream.indirect.gather [hbm4b:s0+s22], $0x80, s19, s22, $0xb8;
	[tilespmem:$0x1FF00] =	vst v63  }
0x3c: {  	_ =	swait.ge [sflag:s23], $0x100  }
0x3d: {  	[sflag:s23] =	ssyncset.done $0x0  }
0x3e: {  	s26 =	smov.u32 s17;
	s28 =	simm.s32 $0x0;
	[sflag:s23] =	ssyncadd.s32 $0xFFFFFF00  }
0x3f: {  	[tilespmem:s24], [sflag:$0x2] =	stream.indirect.gather [hbm4b:s0+s22], $0x80, s20, s22, $0xb8;
	[tilespmem:$0x1FF00] =	vst v63  }
.LBB2_2:
0x40: {  	p0 =	sge.u32 s28, s8  }
0x41: {  	s29 =	simm.s32 @!p0 $0x1  }
0x42: {  	_ =	swait.ge @!p0 [sflag:s29], $0x4000  }
0x43: {  	s30 =	simm.s32 @!p0 $0xC080;
	[sflag:s29] =	ssyncset.done @!p0 $0x0  }
0x44: {  	s31 =	simm.s32 @!p0 $0x0;
	[sflag:s29] =	ssyncadd.s32 @!p0 $0xFFFFC000;
	s29 =	simm.s32 @!p0 $0x80  }
0x45: {  	[spmem:s4] =	stream.indirect.scatter.add.f32 @!p0 [tilespmem:s31], [sflag:$0x7], $0x80, s30, s29, $0xb8;
	[tilespmem:$0x1FF00] =	vst v63  }
0x46: {  	s29 =	simm.s32 @!p0 $0x7  }
0x47: {  	_ =	swait.ge @!p0 [sflag:s29], $0x4000  }
0x48: {  	s2 =	sadd.s32 $0x2, s28;
	s1 =	rddreg [dreg:$0x6];
	[sflag:s29] =	ssyncset.done @!p0 $0x0  }
0x49: {  	p1 =	sge.u32 s28, s1;
	[sflag:s29] =	ssyncadd.s32 @!p0 $0xFFFFC000;
	p0 =	sge.u32 s2, s8  }
0x4a: {  	s29 =	simm.s32 @!p1 $0x0;
	s30 =	simm.s32 @!p1 $0xC000;
	s31 =	simm.s32 @!p0 $0x6  }
0x4b: {  	[tilespmem:s30], [sflag:$0x4] =	stream.linear.gather @!p1 [hbm4b:s26+s29], $0x100, $0x38;
	[tilespmem:$0x1FF00] =	vst v63  }
0x4c: {  	s3 =	sadd.s32 $0x1, s28;
	_ =	swait.ge @!p0 [sflag:s31], $0x100  }
0x4d: {  	p2 =	sge.u32 s3, s8;
	s2 =	simm.s32 @!p0 $0xC200;
	[sflag:s31] =	ssyncset.done @!p0 $0x0  }
0x4e: {  	s1 =	simm.s32 @!p0 $0x8000;
	[sflag:s31] =	ssyncadd.s32 @!p0 $0xFFFFFF00;
	s31 =	simm.s32 @!p0 $0x80  }
0x4f: {  	[tilespmem:s1], [sflag:$0x3] =	stream.indirect.gather @!p0 [hbm4b:s0+s31], $0x80, s2, s31, $0xb8;
	[tilespmem:$0x1FF00] =	vst v63  }
0x50: {  	s2 =	simm.s32 @!p2 $0x2  }
0x51: {  	_ =	swait.ge @!p2 [sflag:s2], $0x4000  }
0x52: {  	s3 =	simm.s32 @!p2 $0xC180;
	[sflag:s2] =	ssyncset.done @!p2 $0x0  }
0x53: {  	s21 =	simm.s32 @!p2 $0x4000;
	[sflag:s2] =	ssyncadd.s32 @!p2 $0xFFFFC000;
	s2 =	simm.s32 @!p2 $0x80  }
0x54: {  	[spmem:s4] =	stream.indirect.scatter.add.f32 @!p2 [tilespmem:s21], [sflag:$0x7], $0x80, s3, s2, $0xb8;
	[tilespmem:$0x1FF00] =	vst v63  }
0x55: {  	s2 =	simm.s32 @!p2 $0x7  }
0x56: {  	_ =	swait.ge @!p2 [sflag:s2], $0x4000  }
0x57: {  	s21 =	rddreg [dreg:$0x7];
	[sflag:s2] =	ssyncset.done @!p2 $0x0  }
0x58: {  	[sflag:s2] =	ssyncadd.s32 @!p2 $0xFFFFC000;
	p2 =	sge.u32 s28, s21  }
0x59: {  	s2 =	sadd.s32 @!p2 $0x20, s26;
	s3 =	simm.s32 @!p2 $0x0;
	s21 =	simm.s32 @!p2 $0xC100  }
0x5a: {  	[tilespmem:s21], [sflag:$0x5] =	stream.linear.gather @!p2 [hbm4b:s2+s3], $0x100, $0x38;
	[tilespmem:$0x1FF00] =	vst v63  }
0x5b: {  	s2 =	simm.s32 @!p1 $0x4  }
0x5c: {  	_ =	swait.ge @!p1 [sflag:s2], $0x100  }
0x5d: {  	[sflag:s2] =	ssyncset.done @!p1 $0x0  }
0x5e: {  	[sflag:s2] =	ssyncadd.s32 @!p1 $0xFFFFFF00;
	s2 =	simm.s32 @!p1 $0x80  }
0x5f: {  	[tilespmem:s29], [sflag:$0x1] =	stream.indirect.gather @!p1 [hbm4b:s0+s2], $0x80, s30, s2, $0xb8;
	[tilespmem:$0x1FF00] =	vst v63  }
0x60: {  	s2 =	simm.s32 @!p0 $0x3  }
0x61: {  	_ =	swait.ge @!p0 [sflag:s2], $0x4000  }
0x62: {  	[sflag:s2] =	ssyncset.done @!p0 $0x0  }
0x63: {  	[sflag:s2] =	ssyncadd.s32 @!p0 $0xFFFFC000;
	s2 =	simm.s32 @!p0 $0xC280  }
0x64: {  	[spmem:s4] =	stream.indirect.scatter.add.f32 @!p0 [tilespmem:s1], [sflag:$0x7], $0x80, s2, s31, $0xb8;
	[tilespmem:$0x1FF00] =	vst v63  }
0x65: {  	s1 =	simm.s32 @!p0 $0x7  }
0x66: {  	_ =	swait.ge @!p0 [sflag:s1], $0x4000  }
0x67: {  	s30 =	rddreg [dreg:$0x8];
	[sflag:s1] =	ssyncset.done @!p0 $0x0  }
0x68: {  	[sflag:s1] =	ssyncadd.s32 @!p0 $0xFFFFC000;
	p0 =	sge.u32 s28, s30  }
0x69: {  	s1 =	sadd.s32 @!p0 $0x40, s26;
	s2 =	simm.s32 @!p0 $0x0;
	s3 =	simm.s32 @!p0 $0xC200  }
0x6a: {  	[tilespmem:s3], [sflag:$0x6] =	stream.linear.gather @!p0 [hbm4b:s1+s2], $0x100, $0x38;
	[tilespmem:$0x1FF00] =	vst v63  }
0x6b: {  	s1 =	simm.s32 @!p2 $0x5  }
0x6c: {  	_ =	swait.ge @!p2 [sflag:s1], $0x100  }
0x6d: {  	s28 =	sadd.s32 $0x3, s28;
	s31 =	rddreg [dreg:$0x9]  }
0x6e: {  	p0 =	sne.s32 s31, s28  }
.Ltmp0:
0x6f: {  	_ = 	snop;
	(pc) =	sbr.rel @p0 .LBB2_2-.Ltmp0, $4  }
0x70: {  	_ = 	snop  }
0x71: {  	s26 =	sadd.s32 $0x60, s26;
	[sflag:s1] =	ssyncset.done @!p2 $0x0  }
0x72: {  	s2 =	simm.s32 @!p2 $0x4000;
	[sflag:s1] =	ssyncadd.s32 @!p2 $0xFFFFFF00;
	s1 =	simm.s32 @!p2 $0x80  }
0x73: {  	[tilespmem:s2], [sflag:$0x2] =	stream.indirect.gather @!p2 [hbm4b:s0+s1], $0x80, s21, s1, $0xb8;
	[tilespmem:$0x1FF00] =	vst v63  }
0x74: {  	[bflag:$0x0] =	sbarrier.arrive $0xFFFF;
	s1 =	stileid.u32;
	s25 =	sadd.s32 $0x1, s25  }
0x75: {  	s2 =	sshrl.u32 s6, $0x3;
	s1 =	sshll.u32 s1, $0x6;
	p0 =	sne.s32 s25, s16  }
.Ltmp1:
0x76: {  	[bflag:$0x0] =	sbarrier.arrive $0xFFFF;
	s1 =	sor.u32 $0x1C07, s1;
	(pc) =	sbr.rel @p0 .LBB2_1-.Ltmp1, $4  }
0x77: {  	[hbm:s15], [sflag:s1] =	dma.local [spmem:s2], $0x2780  }
0x78: {  	_ =	swait.ge [sflag:s18], $0x2780  }
0x79: {  	[sflag:s18] =	ssyncset.done $0x0  }
0x7a: {  	[sflag:s18] =	ssyncadd.s32 $0xFFFFD880  }
0x7b: {  	_ =	sfence.sel $0x180000  }
0x7c: {  	[bflag:$0x0] =	sbarrier.arrive $0xFFFF  }
0x7d: {  	_ =	strace $0x90000047  }
0x7e: {  	s0 =	stileid.u32;
	[bflag:$0x2] =	sbarrier.arrive $0xFFFF  }
0x7f: {  	p0 =	sne.s32 s0, $0x0;
	s0 =	rddreg [dreg:$0x5]  }
0x80: {  	s0 =	sadd.s32 @!p0 $0x100000, s0  }
0x81: {  	[sflag:s0] =	ssyncadd.tile.s32 @!p0 $0x1;
	_ =	shalt  }
.Lfunc_end2:
_tile_overlayer_lowered:
.L_overlay_start_2:
0x82: {  	(tag) =	ssettag $0x2  }
0x83: {  	s0 =	rddreg [dreg:$0x0];
	s2 =	stileid.u32  }
0x84: {  	s1 =	rddreg [dreg:$0x1];
	p0 =	sne.s32 s2, $0x0  }
0x85: {  	s3 =	rddreg [dreg:$0x2];
	[bflag:$0x3] =	sbarrier.arrive $0xFFFF;
	s2 =	simm.s32 @!p0 $0x1C07  }
0x86: {  	[timem:s3], [sflag:s2] =	dma.local @!p0 [hbm:s0], s1  }
0x87: {  	s0 =	simm.s32 @!p0 $0x7  }
0x88: {  	_ =	swait.ge @!p0 [sflag:s0], s1  }
0x89: {  	s1 =	ssub.s32 @!p0 $0x0, s1;
	[sflag:s0] =	ssyncset.done @!p0 $0x0  }
0x8a: {  	[sflag:s0] =	ssyncadd.s32 @!p0 s1  }
0x8b: {  	[bflag:$0x3] =	sbarrier.arrive $0xFFFF  }
0x8c: {  	_ =	shalt  }

</sc_bundles>
